<compile_context>
chip_gen: v7x
topology: tpu7x:2x2x1
jax: 0.10.2.dev20260603
libtpu: 0.0.44.dev20260713+nightly
codegen_flags: <defaults>
</compile_context>

<pallas_src>
import functools

import jax
import jax.numpy as jnp
from jax import lax
from jax.experimental import pallas as pl
from jax.experimental.pallas import tpu as pltpu
from jax.experimental.pallas import tpu_sc as plsc

D = 128
L = 16
NC = 2
NS = 16
NW = NC * NS
CHUNK = 80
RPW = 160
ITEMS = 5000


def _item_body(audio_hbm, artist_hbm, album_hbm, aid_hbm, bid_hbm, out_hbm,
               aidx, bidx, acc, ra0, ra1, rb0, rb1,
               s_ia, s_ib, s_au, s_ga0, s_ga1, s_gb0, s_gb1, s_o0, s_o1):
    wid = lax.axis_index("s") * NC + lax.axis_index("c")
    bb = jnp.minimum(wid * RPW, ITEMS - RPW)

    ia = pltpu.async_copy(aid_hbm.at[pl.ds(bb, RPW)], aidx, s_ia)
    ib = pltpu.async_copy(bid_hbm.at[pl.ds(bb, RPW)], bidx, s_ib)
    au = pltpu.async_copy(audio_hbm.at[pl.ds(bb, RPW)], acc, s_au)

    ia.wait()
    ga0 = pltpu.async_copy(artist_hbm.at[aidx.at[pl.ds(0, CHUNK)]], ra0, s_ga0)
    ga1 = pltpu.async_copy(artist_hbm.at[aidx.at[pl.ds(CHUNK, CHUNK)]], ra1,
                           s_ga1)
    ib.wait()
    gb0 = pltpu.async_copy(album_hbm.at[bidx.at[pl.ds(0, CHUNK)]], rb0, s_gb0)
    gb1 = pltpu.async_copy(album_hbm.at[bidx.at[pl.ds(CHUNK, CHUNK)]], rb1,
                           s_gb1)

    au.wait()
    ga0.wait()
    gb0.wait()

    @plsc.parallel_loop(0, CHUNK, step=1, unroll=2)
    def _(r):
        for c in range(D // L):
            sl = (r, pl.ds(c * L, L))
            acc[sl] = (acc[sl] + ra0[sl] + rb0[sl]) * 0.25

    st0 = pltpu.async_copy(acc.at[pl.ds(0, CHUNK)],
                           out_hbm.at[pl.ds(bb, CHUNK)], s_o0)

    ga1.wait()
    gb1.wait()

    @plsc.parallel_loop(0, CHUNK, step=1, unroll=2)
    def _(r):
        for c in range(D // L):
            sl = (r + CHUNK, pl.ds(c * L, L))
            sl2 = (r, pl.ds(c * L, L))
            acc[sl] = (acc[sl] + ra1[sl2] + rb1[sl2]) * 0.25

    st1 = pltpu.async_copy(acc.at[pl.ds(CHUNK, CHUNK)],
                           out_hbm.at[pl.ds(bb + CHUNK, CHUNK)], s_o1)
    st0.wait()
    st1.wait()


_item_kernel = functools.partial(
    pl.kernel,
    out_type=jax.ShapeDtypeStruct((ITEMS, D), jnp.float32),
    mesh=plsc.VectorSubcoreMesh(core_axis_name="c", subcore_axis_name="s",
                                num_cores=NC, num_subcores=NS),
    scratch_types=(
        [pltpu.VMEM((RPW,), jnp.int32)] * 2
        + [pltpu.VMEM((RPW, D), jnp.float32)]
        + [pltpu.VMEM((CHUNK, D), jnp.float32)] * 4
        + [pltpu.SemaphoreType.DMA] * 9
    ),
)(_item_body)


def _user_body(u_ref, o_ref):
    o_ref[...] = u_ref[...] * 0.25


def kernel(user_emb, artist_emb, album_emb, audio_proj_w, mlp_w1, mlp_b1,
           mlp_w2, mlp_b2, item_audio_emb, edge_attr, edge_weight_init,
           edge_index, artist_ids, album_ids):
    num_users = user_emb.shape[0]
    num_items = item_audio_emb.shape[0]

    item_out = _item_kernel(item_audio_emb, artist_emb, album_emb,
                            artist_ids.astype(jnp.int32),
                            album_ids.astype(jnp.int32))

    user_out = pl.pallas_call(
        _user_body,
        out_shape=jax.ShapeDtypeStruct((num_users, D), jnp.float32),
    )(user_emb)

    align_loss = jnp.zeros((), dtype=jnp.float32)
    return (user_out, item_out[:num_items], align_loss)

# --- scband reference (transcript-rebuilt; emitter-appended) ---
"""Pipeline reference for scband-light-gcn-35390530519063 (READ-ONLY COPY).

The authoritative reference and input builder live on the scoring server;
editing this copy changes nothing except your own understanding.
"""

import jax, jax.numpy as jnp
import numpy as np

NUM_USERS = 5000
NUM_ITEMS = 5000
NUM_ARTISTS = 2000
NUM_ALBUMS = 4000
EMBED_DIM = 128
N_EDGES = 320000
D_EDGE = 4
EDGE_MLP_INPUT_DIM = D_EDGE + 1
EDGE_MLP_HIDDEN_DIM = 32
NUM_LAYERS = 3


def setup_inputs(seed: int = 0) -> dict:
    key = jax.random.key(seed)
    ks = jax.random.split(key, 14)
    edge_index = jnp.stack([
        jax.random.randint(ks[0], (N_EDGES,), 0, NUM_USERS),
        jax.random.randint(ks[1], (N_EDGES,), 0, NUM_ITEMS),
    ], axis=0)
    edge_attr = jax.random.normal(ks[2], (N_EDGES, D_EDGE), dtype=jnp.float32)
    edge_weight_init = jax.random.uniform(ks[3], (N_EDGES,), dtype=jnp.float32)
    item_audio_emb = jax.random.normal(ks[4], (NUM_ITEMS, EMBED_DIM), dtype=jnp.float32)
    artist_ids = jax.random.randint(ks[5], (NUM_ITEMS,), 0, NUM_ARTISTS)
    album_ids = jax.random.randint(ks[6], (NUM_ITEMS,), 0, NUM_ALBUMS)
    # learned parameters (std=0.1 init as in the torch module)
    user_emb = 0.1 * jax.random.normal(ks[7], (NUM_USERS, EMBED_DIM), dtype=jnp.float32)
    artist_emb = 0.1 * jax.random.normal(ks[8], (NUM_ARTISTS, EMBED_DIM), dtype=jnp.float32)
    album_emb = 0.1 * jax.random.normal(ks[9], (NUM_ALBUMS, EMBED_DIM), dtype=jnp.float32)
    audio_proj_w = jax.random.normal(ks[10], (EMBED_DIM, EMBED_DIM), dtype=jnp.float32) / np.sqrt(EMBED_DIM)
    mlp_w1 = jax.random.normal(ks[11], (EDGE_MLP_HIDDEN_DIM, EDGE_MLP_INPUT_DIM), dtype=jnp.float32) / np.sqrt(EDGE_MLP_INPUT_DIM)
    mlp_b1 = jnp.zeros((EDGE_MLP_HIDDEN_DIM,), dtype=jnp.float32)
    mlp_w2 = 0.01 * jax.random.normal(ks[12], (1, EDGE_MLP_HIDDEN_DIM), dtype=jnp.float32)
    mlp_b2 = jnp.ones((1,), dtype=jnp.float32)
    return {
        'user_emb': user_emb, 'artist_emb': artist_emb, 'album_emb': album_emb,
        'audio_proj_w': audio_proj_w, 'mlp_w1': mlp_w1, 'mlp_b1': mlp_b1,
        'mlp_w2': mlp_w2, 'mlp_b2': mlp_b2, 'item_audio_emb': item_audio_emb,
        'edge_attr': edge_attr, 'edge_weight_init': edge_weight_init,
        'edge_index': edge_index, 'artist_ids': artist_ids, 'album_ids': album_ids,
    }


def reference(user_emb, artist_emb, album_emb, audio_proj_w, mlp_w1, mlp_b1,
              mlp_w2, mlp_b2, item_audio_emb, edge_attr, edge_weight_init,
              edge_index, artist_ids, album_ids):
    num_users = user_emb.shape[0]
    num_items = item_audio_emb.shape[0]
    N = num_users + num_items
    # node features
    user_h = user_emb
    item_h = item_audio_emb + jnp.take(artist_emb, artist_ids, axis=0) + jnp.take(album_emb, album_ids, axis=0)
    projected_audio = item_audio_emb @ audio_proj_w.T  # computed as in torch (unused when lambda_align=0)
    # edge weight MLP
    edge_features = jnp.concatenate([edge_attr, edge_weight_init[:, None]], axis=1)
    h = jax.nn.relu(edge_features @ mlp_w1.T + mlp_b1)
    edge_weight = (h @ mlp_w2.T + mlp_b2).squeeze()
    x = jnp.concatenate([user_h, item_h], axis=0)
    row = edge_index[0]
    col = edge_index[1] + num_users
    xs = [x]
    for _ in range(NUM_LAYERS):
        # LGConv with gcn_norm (add_self_loops=False), recomputed each layer
        deg = jax.ops.segment_sum(edge_weight, col, num_segments=N)
        deg_inv_sqrt = jnp.power(deg, -0.5)
        deg_inv_sqrt = jnp.where(jnp.isinf(deg_inv_sqrt), 0.0, deg_inv_sqrt)
        norm = deg_inv_sqrt[row] * edge_weight * deg_inv_sqrt[col]
        x = jax.ops.segment_sum(norm[:, None] * jnp.take(x, row, axis=0), col, num_segments=N)
        xs.append(x)
    x_final = jnp.mean(jnp.stack(xs, axis=0), axis=0)
    final_user_h = x_final[:num_users]
    final_item_h = x_final[num_users:]
    align_loss = jnp.array(0.0, dtype=jnp.float32)  # lambda_align == 0
    return (final_user_h, final_item_h, align_loss)

if __name__ == "__main__":
    import jax
    _d = setup_inputs()
    print(jax.jit(kernel)(*tuple(_d.values())))

</pallas_src>

<mosaic_0001>
#map = affine_map<(d0, d1) -> (0, 0)>
#map1 = affine_map<(d0, d1) -> (0)>
module attributes {stable_mosaic.version = 14 : i64} {
  func.func @_item_body(%arg0: i32, %arg1: i32, %arg2: memref<5000x128xf32, #tpu.memory_space<hbm>>, %arg3: memref<2000x128xf32, #tpu.memory_space<hbm>>, %arg4: memref<4000x128xf32, #tpu.memory_space<hbm>>, %arg5: memref<5000xi32, #tpu.memory_space<hbm>>, %arg6: memref<5000xi32, #tpu.memory_space<hbm>>, %arg7: memref<5000x128xf32, #tpu.memory_space<hbm>>, %arg8: memref<160xi32, #tpu.memory_space<vmem>>, %arg9: memref<160xi32, #tpu.memory_space<vmem>>, %arg10: memref<160x128xf32, #tpu.memory_space<vmem>>, %arg11: memref<80x128xf32, #tpu.memory_space<vmem>>, %arg12: memref<80x128xf32, #tpu.memory_space<vmem>>, %arg13: memref<80x128xf32, #tpu.memory_space<vmem>>, %arg14: memref<80x128xf32, #tpu.memory_space<vmem>>, %arg15: memref<!tpu.dma_semaphore, #tpu.memory_space<semaphore_mem>>, %arg16: memref<!tpu.dma_semaphore, #tpu.memory_space<semaphore_mem>>, %arg17: memref<!tpu.dma_semaphore, #tpu.memory_space<semaphore_mem>>, %arg18: memref<!tpu.dma_semaphore, #tpu.memory_space<semaphore_mem>>, %arg19: memref<!tpu.dma_semaphore, #tpu.memory_space<semaphore_mem>>, %arg20: memref<!tpu.dma_semaphore, #tpu.memory_space<semaphore_mem>>, %arg21: memref<!tpu.dma_semaphore, #tpu.memory_space<semaphore_mem>>, %arg22: memref<!tpu.dma_semaphore, #tpu.memory_space<semaphore_mem>>, %arg23: memref<!tpu.dma_semaphore, #tpu.memory_space<semaphore_mem>>) attributes {dimension_semantics = [#tpu.dimension_semantics<core_parallel>, #tpu.dimension_semantics<subcore_parallel>], iteration_bounds = array<i64: 2, 16>, scalar_prefetch = 0 : i64, scratch_operands = 16 : i64, tpu.core_type = #tpu.core_type<sc_vector_subcore>, window_params = [{transform_indices = #map}, {transform_indices = #map}, {transform_indices = #map}, {transform_indices = #map1}, {transform_indices = #map1}, {transform_indices = #map}]} {
    %mul3A = arith.constant 2 : i32
    %mul3A_0 = arith.muli %arg1, %mul3A : i32
    %add3A = arith.addi %mul3A_0, %arg0 : i32
    %mul3A_1 = arith.constant 160 : i32
    %mul3A_2 = arith.muli %add3A, %mul3A_1 : i32
    %min3A = arith.constant 4840 : i32
    %min3A_3 = arith.minsi %mul3A_2, %min3A : i32
    %dma_start3A = tpu.memref_slice %arg5[%min3A_3] : memref<5000xi32, #tpu.memory_space<hbm>> -> memref<160xi32, #tpu.memory_space<hbm>>
    %dma_start3A_4 = tpu.memref_slice %arg5[%min3A_3] : memref<5000xi32, #tpu.memory_space<hbm>> -> memref<160xi32, #tpu.memory_space<hbm>>
    tpu.enqueue_dma source(%dma_start3A_4 : memref<160xi32, #tpu.memory_space<hbm>>) target(%arg8 : memref<160xi32, #tpu.memory_space<vmem>>) target_semaphore(%arg15 : memref<!tpu.dma_semaphore, #tpu.memory_space<semaphore_mem>>)
    %dma_start3A_5 = tpu.memref_slice %arg6[%min3A_3] : memref<5000xi32, #tpu.memory_space<hbm>> -> memref<160xi32, #tpu.memory_space<hbm>>
    %dma_start3A_6 = tpu.memref_slice %arg6[%min3A_3] : memref<5000xi32, #tpu.memory_space<hbm>> -> memref<160xi32, #tpu.memory_space<hbm>>
    tpu.enqueue_dma source(%dma_start3A_6 : memref<160xi32, #tpu.memory_space<hbm>>) target(%arg9 : memref<160xi32, #tpu.memory_space<vmem>>) target_semaphore(%arg16 : memref<!tpu.dma_semaphore, #tpu.memory_space<semaphore_mem>>)
    %dma_start3A_7 = arith.constant 0 : i32
    %dma_start3A_8 = tpu.memref_slice %arg2[%min3A_3, %dma_start3A_7] : memref<5000x128xf32, #tpu.memory_space<hbm>> -> memref<160x128xf32, #tpu.memory_space<hbm>>
    %dma_start3A_9 = arith.constant 0 : i32
    %dma_start3A_10 = tpu.memref_slice %arg2[%min3A_3, %dma_start3A_9] : memref<5000x128xf32, #tpu.memory_space<hbm>> -> memref<160x128xf32, #tpu.memory_space<hbm>>
    tpu.enqueue_dma source(%dma_start3A_10 : memref<160x128xf32, #tpu.memory_space<hbm>>) target(%arg10 : memref<160x128xf32, #tpu.memory_space<vmem>>) target_semaphore(%arg17 : memref<!tpu.dma_semaphore, #tpu.memory_space<semaphore_mem>>)
    %dma_wait3A = tpu.memref_slice %arg5[%min3A_3] : memref<5000xi32, #tpu.memory_space<hbm>> -> memref<160xi32, #tpu.memory_space<hbm>>
    %dma_wait3A_11 = tpu.memref_slice %arg5[%min3A_3] : memref<5000xi32, #tpu.memory_space<hbm>> -> memref<160xi32, #tpu.memory_space<hbm>>
    tpu.wait_dma2 semaphore(%arg15 : memref<!tpu.dma_semaphore, #tpu.memory_space<semaphore_mem>>) src(%dma_wait3A_11 : memref<160xi32, #tpu.memory_space<hbm>>) dst(%arg8 : memref<160xi32, #tpu.memory_space<vmem>>)
    %dma_start3A_12 = arith.constant 0 : i32
    %dma_start3A_13 = tpu.memref_slice %arg8[%dma_start3A_12] : memref<160xi32, #tpu.memory_space<vmem>> -> memref<80xi32, #tpu.memory_space<vmem>>
    %dma_start3A_14 = arith.constant 0 : i32
    %dma_start3A_15 = arith.constant 0 : i32
    %dma_start3A_16 = tpu.memref_slice %arg3[%dma_start3A_14, %dma_start3A_15] : memref<2000x128xf32, #tpu.memory_space<hbm>> -> memref<2000x128xf32, #tpu.memory_space<hbm>>
    tpu.enqueue_indirect_dma source(%dma_start3A_16 : memref<2000x128xf32, #tpu.memory_space<hbm>>) target(%arg11 : memref<80x128xf32, #tpu.memory_space<vmem>>) offsets(%dma_start3A_13 : memref<80xi32, #tpu.memory_space<vmem>>) semaphore(%arg18 : memref<!tpu.dma_semaphore, #tpu.memory_space<semaphore_mem>>)
    %dma_start3A_17 = arith.constant 80 : i32
    %dma_start3A_18 = tpu.memref_slice %arg8[%dma_start3A_17] : memref<160xi32, #tpu.memory_space<vmem>> -> memref<80xi32, #tpu.memory_space<vmem>>
    %dma_start3A_19 = arith.constant 0 : i32
    %dma_start3A_20 = arith.constant 0 : i32
    %dma_start3A_21 = tpu.memref_slice %arg3[%dma_start3A_19, %dma_start3A_20] : memref<2000x128xf32, #tpu.memory_space<hbm>> -> memref<2000x128xf32, #tpu.memory_space<hbm>>
    tpu.enqueue_indirect_dma source(%dma_start3A_21 : memref<2000x128xf32, #tpu.memory_space<hbm>>) target(%arg12 : memref<80x128xf32, #tpu.memory_space<vmem>>) offsets(%dma_start3A_18 : memref<80xi32, #tpu.memory_space<vmem>>) semaphore(%arg19 : memref<!tpu.dma_semaphore, #tpu.memory_space<semaphore_mem>>)
    %dma_wait3A_22 = tpu.memref_slice %arg6[%min3A_3] : memref<5000xi32, #tpu.memory_space<hbm>> -> memref<160xi32, #tpu.memory_space<hbm>>
    %dma_wait3A_23 = tpu.memref_slice %arg6[%min3A_3] : memref<5000xi32, #tpu.memory_space<hbm>> -> memref<160xi32, #tpu.memory_space<hbm>>
    tpu.wait_dma2 semaphore(%arg16 : memref<!tpu.dma_semaphore, #tpu.memory_space<semaphore_mem>>) src(%dma_wait3A_23 : memref<160xi32, #tpu.memory_space<hbm>>) dst(%arg9 : memref<160xi32, #tpu.memory_space<vmem>>)
    %dma_start3A_24 = arith.constant 0 : i32
    %dma_start3A_25 = tpu.memref_slice %arg9[%dma_start3A_24] : memref<160xi32, #tpu.memory_space<vmem>> -> memref<80xi32, #tpu.memory_space<vmem>>
    %dma_start3A_26 = arith.constant 0 : i32
    %dma_start3A_27 = arith.constant 0 : i32
    %dma_start3A_28 = tpu.memref_slice %arg4[%dma_start3A_26, %dma_start3A_27] : memref<4000x128xf32, #tpu.memory_space<hbm>> -> memref<4000x128xf32, #tpu.memory_space<hbm>>
    tpu.enqueue_indirect_dma source(%dma_start3A_28 : memref<4000x128xf32, #tpu.memory_space<hbm>>) target(%arg13 : memref<80x128xf32, #tpu.memory_space<vmem>>) offsets(%dma_start3A_25 : memref<80xi32, #tpu.memory_space<vmem>>) semaphore(%arg20 : memref<!tpu.dma_semaphore, #tpu.memory_space<semaphore_mem>>)
    %dma_start3A_29 = arith.constant 80 : i32
    %dma_start3A_30 = tpu.memref_slice %arg9[%dma_start3A_29] : memref<160xi32, #tpu.memory_space<vmem>> -> memref<80xi32, #tpu.memory_space<vmem>>
    %dma_start3A_31 = arith.constant 0 : i32
    %dma_start3A_32 = arith.constant 0 : i32
    %dma_start3A_33 = tpu.memref_slice %arg4[%dma_start3A_31, %dma_start3A_32] : memref<4000x128xf32, #tpu.memory_space<hbm>> -> memref<4000x128xf32, #tpu.memory_space<hbm>>
    tpu.enqueue_indirect_dma source(%dma_start3A_33 : memref<4000x128xf32, #tpu.memory_space<hbm>>) target(%arg14 : memref<80x128xf32, #tpu.memory_space<vmem>>) offsets(%dma_start3A_30 : memref<80xi32, #tpu.memory_space<vmem>>) semaphore(%arg21 : memref<!tpu.dma_semaphore, #tpu.memory_space<semaphore_mem>>)
    %dma_wait3A_34 = arith.constant 0 : i32
    %dma_wait3A_35 = tpu.memref_slice %arg2[%min3A_3, %dma_wait3A_34] : memref<5000x128xf32, #tpu.memory_space<hbm>> -> memref<160x128xf32, #tpu.memory_space<hbm>>
    %dma_wait3A_36 = arith.constant 0 : i32
    %dma_wait3A_37 = tpu.memref_slice %arg2[%min3A_3, %dma_wait3A_36] : memref<5000x128xf32, #tpu.memory_space<hbm>> -> memref<160x128xf32, #tpu.memory_space<hbm>>
    tpu.wait_dma2 semaphore(%arg17 : memref<!tpu.dma_semaphore, #tpu.memory_space<semaphore_mem>>) src(%dma_wait3A_37 : memref<160x128xf32, #tpu.memory_space<hbm>>) dst(%arg10 : memref<160x128xf32, #tpu.memory_space<vmem>>)
    %dma_wait3A_38 = arith.constant 0 : i32
    %dma_wait3A_39 = tpu.memref_slice %arg8[%dma_wait3A_38] : memref<160xi32, #tpu.memory_space<vmem>> -> memref<80xi32, #tpu.memory_space<vmem>>
    %dma_wait3A_40 = arith.constant 0 : i32
    %dma_wait3A_41 = arith.constant 0 : i32
    %dma_wait3A_42 = tpu.memref_slice %arg3[%dma_wait3A_40, %dma_wait3A_41] : memref<2000x128xf32, #tpu.memory_space<hbm>> -> memref<2000x128xf32, #tpu.memory_space<hbm>>
    tpu.wait_indirect_dma semaphore(%arg18 : memref<!tpu.dma_semaphore, #tpu.memory_space<semaphore_mem>>) src(%dma_wait3A_42 : memref<2000x128xf32, #tpu.memory_space<hbm>>) dst(%arg11 : memref<80x128xf32, #tpu.memory_space<vmem>>)
    %dma_wait3A_43 = arith.constant 0 : i32
    %dma_wait3A_44 = tpu.memref_slice %arg9[%dma_wait3A_43] : memref<160xi32, #tpu.memory_space<vmem>> -> memref<80xi32, #tpu.memory_space<vmem>>
    %dma_wait3A_45 = arith.constant 0 : i32
    %dma_wait3A_46 = arith.constant 0 : i32
    %dma_wait3A_47 = tpu.memref_slice %arg4[%dma_wait3A_45, %dma_wait3A_46] : memref<4000x128xf32, #tpu.memory_space<hbm>> -> memref<4000x128xf32, #tpu.memory_space<hbm>>
    tpu.wait_indirect_dma semaphore(%arg20 : memref<!tpu.dma_semaphore, #tpu.memory_space<semaphore_mem>>) src(%dma_wait3A_47 : memref<4000x128xf32, #tpu.memory_space<hbm>>) dst(%arg13 : memref<80x128xf32, #tpu.memory_space<vmem>>)
    %parallel_loop3A = arith.constant 0 : i32
    %parallel_loop3A_48 = arith.constant 80 : i32
    %parallel_loop3A_49 = arith.constant 1 : i32
    scf.for %parallel_loop3A_105 = %parallel_loop3A to %parallel_loop3A_48 step %parallel_loop3A_49  : i32 {
      %parallel_loop3A_106 = arith.index_cast %parallel_loop3A_105 : i32 to index
      %parallel_loop3A_107 = arith.constant 0 : index
      %parallel_loop3A_108 = tpu.vector_load %arg10[%parallel_loop3A_106, %parallel_loop3A_107] {strides = array<i32>} : memref<160x128xf32, #tpu.memory_space<vmem>>, vector<1x16xf32>,
      %parallel_loop3A_109 = vector.shape_cast %parallel_loop3A_108 : vector<1x16xf32> to vector<16xf32>
      %parallel_loop3A_110 = arith.index_cast %parallel_loop3A_105 : i32 to index
      %parallel_loop3A_111 = arith.constant 0 : index
      %parallel_loop3A_112 = tpu.vector_load %arg11[%parallel_loop3A_110, %parallel_loop3A_111] {strides = array<i32>} : memref<80x128xf32, #tpu.memory_space<vmem>>, vector<1x16xf32>,
      %parallel_loop3A_113 = vector.shape_cast %parallel_loop3A_112 : vector<1x16xf32> to vector<16xf32>
      %parallel_loop3A_114 = arith.addf %parallel_loop3A_109, %parallel_loop3A_113 : vector<16xf32>
      %parallel_loop3A_115 = arith.index_cast %parallel_loop3A_105 : i32 to index
      %parallel_loop3A_116 = arith.constant 0 : index
      %parallel_loop3A_117 = tpu.vector_load %arg13[%parallel_loop3A_115, %parallel_loop3A_116] {strides = array<i32>} : memref<80x128xf32, #tpu.memory_space<vmem>>, vector<1x16xf32>,
      %parallel_loop3A_118 = vector.shape_cast %parallel_loop3A_117 : vector<1x16xf32> to vector<16xf32>
      %parallel_loop3A_119 = arith.addf %parallel_loop3A_114, %parallel_loop3A_118 : vector<16xf32>
      %parallel_loop3A_120 = arith.constant 2.500000e-01 : f32
      %parallel_loop3A_121 = vector.broadcast %parallel_loop3A_120 : f32 to vector<16xf32>
      %parallel_loop3A_122 = arith.mulf %parallel_loop3A_119, %parallel_loop3A_121 : vector<16xf32>
      %parallel_loop3A_123 = arith.index_cast %parallel_loop3A_105 : i32 to index
      %parallel_loop3A_124 = arith.constant 0 : index
      %parallel_loop3A_125 = tpu.vector_load %arg10[%parallel_loop3A_123, %parallel_loop3A_124] {strides = array<i32>} : memref<160x128xf32, #tpu.memory_space<vmem>>, vector<1x16xf32>,
      %parallel_loop3A_126 = vector.shape_cast %parallel_loop3A_125 : vector<1x16xf32> to vector<16xf32>
      %parallel_loop3A_127 = vector.shape_cast %parallel_loop3A_122 : vector<16xf32> to vector<1x16xf32>
      tpu.vector_store %arg10[%parallel_loop3A_123, %parallel_loop3A_124], %parallel_loop3A_127 {strides = array<i32>} : memref<160x128xf32, #tpu.memory_space<vmem>>, vector<1x16xf32>,
      %parallel_loop3A_128 = arith.index_cast %parallel_loop3A_105 : i32 to index
      %parallel_loop3A_129 = arith.constant 16 : index
      %parallel_loop3A_130 = tpu.vector_load %arg10[%parallel_loop3A_128, %parallel_loop3A_129] {strides = array<i32>} : memref<160x128xf32, #tpu.memory_space<vmem>>, vector<1x16xf32>,
      %parallel_loop3A_131 = vector.shape_cast %parallel_loop3A_130 : vector<1x16xf32> to vector<16xf32>
      %parallel_loop3A_132 = arith.index_cast %parallel_loop3A_105 : i32 to index
      %parallel_loop3A_133 = arith.constant 16 : index
      %parallel_loop3A_134 = tpu.vector_load %arg11[%parallel_loop3A_132, %parallel_loop3A_133] {strides = array<i32>} : memref<80x128xf32, #tpu.memory_space<vmem>>, vector<1x16xf32>,
      %parallel_loop3A_135 = vector.shape_cast %parallel_loop3A_134 : vector<1x16xf32> to vector<16xf32>
      %parallel_loop3A_136 = arith.addf %parallel_loop3A_131, %parallel_loop3A_135 : vector<16xf32>
      %parallel_loop3A_137 = arith.index_cast %parallel_loop3A_105 : i32 to index
      %parallel_loop3A_138 = arith.constant 16 : index
      %parallel_loop3A_139 = tpu.vector_load %arg13[%parallel_loop3A_137, %parallel_loop3A_138] {strides = array<i32>} : memref<80x128xf32, #tpu.memory_space<vmem>>, vector<1x16xf32>,
      %parallel_loop3A_140 = vector.shape_cast %parallel_loop3A_139 : vector<1x16xf32> to vector<16xf32>
      %parallel_loop3A_141 = arith.addf %parallel_loop3A_136, %parallel_loop3A_140 : vector<16xf32>
      %parallel_loop3A_142 = arith.constant 2.500000e-01 : f32
      %parallel_loop3A_143 = vector.broadcast %parallel_loop3A_142 : f32 to vector<16xf32>
      %parallel_loop3A_144 = arith.mulf %parallel_loop3A_141, %parallel_loop3A_143 : vector<16xf32>
      %parallel_loop3A_145 = arith.index_cast %parallel_loop3A_105 : i32 to index
      %parallel_loop3A_146 = arith.constant 16 : index
      %parallel_loop3A_147 = tpu.vector_load %arg10[%parallel_loop3A_145, %parallel_loop3A_146] {strides = array<i32>} : memref<160x128xf32, #tpu.memory_space<vmem>>, vector<1x16xf32>,
      %parallel_loop3A_148 = vector.shape_cast %parallel_loop3A_147 : vector<1x16xf32> to vector<16xf32>
      %parallel_loop3A_149 = vector.shape_cast %parallel_loop3A_144 : vector<16xf32> to vector<1x16xf32>
      tpu.vector_store %arg10[%parallel_loop3A_145, %parallel_loop3A_146], %parallel_loop3A_149 {strides = array<i32>} : memref<160x128xf32, #tpu.memory_space<vmem>>, vector<1x16xf32>,
      %parallel_loop3A_150 = arith.index_cast %parallel_loop3A_105 : i32 to index
      %parallel_loop3A_151 = arith.constant 32 : index
      %parallel_loop3A_152 = tpu.vector_load %arg10[%parallel_loop3A_150, %parallel_loop3A_151] {strides = array<i32>} : memref<160x128xf32, #tpu.memory_space<vmem>>, vector<1x16xf32>,
      %parallel_loop3A_153 = vector.shape_cast %parallel_loop3A_152 : vector<1x16xf32> to vector<16xf32>
      %parallel_loop3A_154 = arith.index_cast %parallel_loop3A_105 : i32 to index
      %parallel_loop3A_155 = arith.constant 32 : index
      %parallel_loop3A_156 = tpu.vector_load %arg11[%parallel_loop3A_154, %parallel_loop3A_155] {strides = array<i32>} : memref<80x128xf32, #tpu.memory_space<vmem>>, vector<1x16xf32>,
      %parallel_loop3A_157 = vector.shape_cast %parallel_loop3A_156 : vector<1x16xf32> to vector<16xf32>
      %parallel_loop3A_158 = arith.addf %parallel_loop3A_153, %parallel_loop3A_157 : vector<16xf32>
      %parallel_loop3A_159 = arith.index_cast %parallel_loop3A_105 : i32 to index
      %parallel_loop3A_160 = arith.constant 32 : index
      %parallel_loop3A_161 = tpu.vector_load %arg13[%parallel_loop3A_159, %parallel_loop3A_160] {strides = array<i32>} : memref<80x128xf32, #tpu.memory_space<vmem>>, vector<1x16xf32>,
      %parallel_loop3A_162 = vector.shape_cast %parallel_loop3A_161 : vector<1x16xf32> to vector<16xf32>
      %parallel_loop3A_163 = arith.addf %parallel_loop3A_158, %parallel_loop3A_162 : vector<16xf32>
      %parallel_loop3A_164 = arith.constant 2.500000e-01 : f32
      %parallel_loop3A_165 = vector.broadcast %parallel_loop3A_164 : f32 to vector<16xf32>
      %parallel_loop3A_166 = arith.mulf %parallel_loop3A_163, %parallel_loop3A_165 : vector<16xf32>
      %parallel_loop3A_167 = arith.index_cast %parallel_loop3A_105 : i32 to index
      %parallel_loop3A_168 = arith.constant 32 : index
      %parallel_loop3A_169 = tpu.vector_load %arg10[%parallel_loop3A_167, %parallel_loop3A_168] {strides = array<i32>} : memref<160x128xf32, #tpu.memory_space<vmem>>, vector<1x16xf32>,
      %parallel_loop3A_170 = vector.shape_cast %parallel_loop3A_169 : vector<1x16xf32> to vector<16xf32>
      %parallel_loop3A_171 = vector.shape_cast %parallel_loop3A_166 : vector<16xf32> to vector<1x16xf32>
      tpu.vector_store %arg10[%parallel_loop3A_167, %parallel_loop3A_168], %parallel_loop3A_171 {strides = array<i32>} : memref<160x128xf32, #tpu.memory_space<vmem>>, vector<1x16xf32>,
      %parallel_loop3A_172 = arith.index_cast %parallel_loop3A_105 : i32 to index
      %parallel_loop3A_173 = arith.constant 48 : index
      %parallel_loop3A_174 = tpu.vector_load %arg10[%parallel_loop3A_172, %parallel_loop3A_173] {strides = array<i32>} : memref<160x128xf32, #tpu.memory_space<vmem>>, vector<1x16xf32>,
      %parallel_loop3A_175 = vector.shape_cast %parallel_loop3A_174 : vector<1x16xf32> to vector<16xf32>
      %parallel_loop3A_176 = arith.index_cast %parallel_loop3A_105 : i32 to index
      %parallel_loop3A_177 = arith.constant 48 : index
      %parallel_loop3A_178 = tpu.vector_load %arg11[%parallel_loop3A_176, %parallel_loop3A_177] {strides = array<i32>} : memref<80x128xf32, #tpu.memory_space<vmem>>, vector<1x16xf32>,
      %parallel_loop3A_179 = vector.shape_cast %parallel_loop3A_178 : vector<1x16xf32> to vector<16xf32>
      %parallel_loop3A_180 = arith.addf %parallel_loop3A_175, %parallel_loop3A_179 : vector<16xf32>
      %parallel_loop3A_181 = arith.index_cast %parallel_loop3A_105 : i32 to index
      %parallel_loop3A_182 = arith.constant 48 : index
      %parallel_loop3A_183 = tpu.vector_load %arg13[%parallel_loop3A_181, %parallel_loop3A_182] {strides = array<i32>} : memref<80x128xf32, #tpu.memory_space<vmem>>, vector<1x16xf32>,
      %parallel_loop3A_184 = vector.shape_cast %parallel_loop3A_183 : vector<1x16xf32> to vector<16xf32>
      %parallel_loop3A_185 = arith.addf %parallel_loop3A_180, %parallel_loop3A_184 : vector<16xf32>
      %parallel_loop3A_186 = arith.constant 2.500000e-01 : f32
      %parallel_loop3A_187 = vector.broadcast %parallel_loop3A_186 : f32 to vector<16xf32>
      %parallel_loop3A_188 = arith.mulf %parallel_loop3A_185, %parallel_loop3A_187 : vector<16xf32>
      %parallel_loop3A_189 = arith.index_cast %parallel_loop3A_105 : i32 to index
      %parallel_loop3A_190 = arith.constant 48 : index
      %parallel_loop3A_191 = tpu.vector_load %arg10[%parallel_loop3A_189, %parallel_loop3A_190] {strides = array<i32>} : memref<160x128xf32, #tpu.memory_space<vmem>>, vector<1x16xf32>,
      %parallel_loop3A_192 = vector.shape_cast %parallel_loop3A_191 : vector<1x16xf32> to vector<16xf32>
      %parallel_loop3A_193 = vector.shape_cast %parallel_loop3A_188 : vector<16xf32> to vector<1x16xf32>
      tpu.vector_store %arg10[%parallel_loop3A_189, %parallel_loop3A_190], %parallel_loop3A_193 {strides = array<i32>} : memref<160x128xf32, #tpu.memory_space<vmem>>, vector<1x16xf32>,
      %parallel_loop3A_194 = arith.index_cast %parallel_loop3A_105 : i32 to index
      %parallel_loop3A_195 = arith.constant 64 : index
      %parallel_loop3A_196 = tpu.vector_load %arg10[%parallel_loop3A_194, %parallel_loop3A_195] {strides = array<i32>} : memref<160x128xf32, #tpu.memory_space<vmem>>, vector<1x16xf32>,
      %parallel_loop3A_197 = vector.shape_cast %parallel_loop3A_196 : vector<1x16xf32> to vector<16xf32>
      %parallel_loop3A_198 = arith.index_cast %parallel_loop3A_105 : i32 to index
      %parallel_loop3A_199 = arith.constant 64 : index
      %parallel_loop3A_200 = tpu.vector_load %arg11[%parallel_loop3A_198, %parallel_loop3A_199] {strides = array<i32>} : memref<80x128xf32, #tpu.memory_space<vmem>>, vector<1x16xf32>,
      %parallel_loop3A_201 = vector.shape_cast %parallel_loop3A_200 : vector<1x16xf32> to vector<16xf32>
      %parallel_loop3A_202 = arith.addf %parallel_loop3A_197, %parallel_loop3A_201 : vector<16xf32>
      %parallel_loop3A_203 = arith.index_cast %parallel_loop3A_105 : i32 to index
      %parallel_loop3A_204 = arith.constant 64 : index
      %parallel_loop3A_205 = tpu.vector_load %arg13[%parallel_loop3A_203, %parallel_loop3A_204] {strides = array<i32>} : memref<80x128xf32, #tpu.memory_space<vmem>>, vector<1x16xf32>,
      %parallel_loop3A_206 = vector.shape_cast %parallel_loop3A_205 : vector<1x16xf32> to vector<16xf32>
      %parallel_loop3A_207 = arith.addf %parallel_loop3A_202, %parallel_loop3A_206 : vector<16xf32>
      %parallel_loop3A_208 = arith.constant 2.500000e-01 : f32
      %parallel_loop3A_209 = vector.broadcast %parallel_loop3A_208 : f32 to vector<16xf32>
      %parallel_loop3A_210 = arith.mulf %parallel_loop3A_207, %parallel_loop3A_209 : vector<16xf32>
      %parallel_loop3A_211 = arith.index_cast %parallel_loop3A_105 : i32 to index
      %parallel_loop3A_212 = arith.constant 64 : index
      %parallel_loop3A_213 = tpu.vector_load %arg10[%parallel_loop3A_211, %parallel_loop3A_212] {strides = array<i32>} : memref<160x128xf32, #tpu.memory_space<vmem>>, vector<1x16xf32>,
      %parallel_loop3A_214 = vector.shape_cast %parallel_loop3A_213 : vector<1x16xf32> to vector<16xf32>
      %parallel_loop3A_215 = vector.shape_cast %parallel_loop3A_210 : vector<16xf32> to vector<1x16xf32>
      tpu.vector_store %arg10[%parallel_loop3A_211, %parallel_loop3A_212], %parallel_loop3A_215 {strides = array<i32>} : memref<160x128xf32, #tpu.memory_space<vmem>>, vector<1x16xf32>,
      %parallel_loop3A_216 = arith.index_cast %parallel_loop3A_105 : i32 to index
      %parallel_loop3A_217 = arith.constant 80 : index
      %parallel_loop3A_218 = tpu.vector_load %arg10[%parallel_loop3A_216, %parallel_loop3A_217] {strides = array<i32>} : memref<160x128xf32, #tpu.memory_space<vmem>>, vector<1x16xf32>,
      %parallel_loop3A_219 = vector.shape_cast %parallel_loop3A_218 : vector<1x16xf32> to vector<16xf32>
      %parallel_loop3A_220 = arith.index_cast %parallel_loop3A_105 : i32 to index
      %parallel_loop3A_221 = arith.constant 80 : index
      %parallel_loop3A_222 = tpu.vector_load %arg11[%parallel_loop3A_220, %parallel_loop3A_221] {strides = array<i32>} : memref<80x128xf32, #tpu.memory_space<vmem>>, vector<1x16xf32>,
      %parallel_loop3A_223 = vector.shape_cast %parallel_loop3A_222 : vector<1x16xf32> to vector<16xf32>
      %parallel_loop3A_224 = arith.addf %parallel_loop3A_219, %parallel_loop3A_223 : vector<16xf32>
      %parallel_loop3A_225 = arith.index_cast %parallel_loop3A_105 : i32 to index
      %parallel_loop3A_226 = arith.constant 80 : index
      %parallel_loop3A_227 = tpu.vector_load %arg13[%parallel_loop3A_225, %parallel_loop3A_226] {strides = array<i32>} : memref<80x128xf32, #tpu.memory_space<vmem>>, vector<1x16xf32>,
      %parallel_loop3A_228 = vector.shape_cast %parallel_loop3A_227 : vector<1x16xf32> to vector<16xf32>
      %parallel_loop3A_229 = arith.addf %parallel_loop3A_224, %parallel_loop3A_228 : vector<16xf32>
      %parallel_loop3A_230 = arith.constant 2.500000e-01 : f32
      %parallel_loop3A_231 = vector.broadcast %parallel_loop3A_230 : f32 to vector<16xf32>
      %parallel_loop3A_232 = arith.mulf %parallel_loop3A_229, %parallel_loop3A_231 : vector<16xf32>
      %parallel_loop3A_233 = arith.index_cast %parallel_loop3A_105 : i32 to index
      %parallel_loop3A_234 = arith.constant 80 : index
      %parallel_loop3A_235 = tpu.vector_load %arg10[%parallel_loop3A_233, %parallel_loop3A_234] {strides = array<i32>} : memref<160x128xf32, #tpu.memory_space<vmem>>, vector<1x16xf32>,
      %parallel_loop3A_236 = vector.shape_cast %parallel_loop3A_235 : vector<1x16xf32> to vector<16xf32>
      %parallel_loop3A_237 = vector.shape_cast %parallel_loop3A_232 : vector<16xf32> to vector<1x16xf32>
      tpu.vector_store %arg10[%parallel_loop3A_233, %parallel_loop3A_234], %parallel_loop3A_237 {strides = array<i32>} : memref<160x128xf32, #tpu.memory_space<vmem>>, vector<1x16xf32>,
      %parallel_loop3A_238 = arith.index_cast %parallel_loop3A_105 : i32 to index
      %parallel_loop3A_239 = arith.constant 96 : index
      %parallel_loop3A_240 = tpu.vector_load %arg10[%parallel_loop3A_238, %parallel_loop3A_239] {strides = array<i32>} : memref<160x128xf32, #tpu.memory_space<vmem>>, vector<1x16xf32>,
      %parallel_loop3A_241 = vector.shape_cast %parallel_loop3A_240 : vector<1x16xf32> to vector<16xf32>
      %parallel_loop3A_242 = arith.index_cast %parallel_loop3A_105 : i32 to index
      %parallel_loop3A_243 = arith.constant 96 : index
      %parallel_loop3A_244 = tpu.vector_load %arg11[%parallel_loop3A_242, %parallel_loop3A_243] {strides = array<i32>} : memref<80x128xf32, #tpu.memory_space<vmem>>, vector<1x16xf32>,
      %parallel_loop3A_245 = vector.shape_cast %parallel_loop3A_244 : vector<1x16xf32> to vector<16xf32>
      %parallel_loop3A_246 = arith.addf %parallel_loop3A_241, %parallel_loop3A_245 : vector<16xf32>
      %parallel_loop3A_247 = arith.index_cast %parallel_loop3A_105 : i32 to index
      %parallel_loop3A_248 = arith.constant 96 : index
      %parallel_loop3A_249 = tpu.vector_load %arg13[%parallel_loop3A_247, %parallel_loop3A_248] {strides = array<i32>} : memref<80x128xf32, #tpu.memory_space<vmem>>, vector<1x16xf32>,
      %parallel_loop3A_250 = vector.shape_cast %parallel_loop3A_249 : vector<1x16xf32> to vector<16xf32>
      %parallel_loop3A_251 = arith.addf %parallel_loop3A_246, %parallel_loop3A_250 : vector<16xf32>
      %parallel_loop3A_252 = arith.constant 2.500000e-01 : f32
      %parallel_loop3A_253 = vector.broadcast %parallel_loop3A_252 : f32 to vector<16xf32>
      %parallel_loop3A_254 = arith.mulf %parallel_loop3A_251, %parallel_loop3A_253 : vector<16xf32>
      %parallel_loop3A_255 = arith.index_cast %parallel_loop3A_105 : i32 to index
      %parallel_loop3A_256 = arith.constant 96 : index
      %parallel_loop3A_257 = tpu.vector_load %arg10[%parallel_loop3A_255, %parallel_loop3A_256] {strides = array<i32>} : memref<160x128xf32, #tpu.memory_space<vmem>>, vector<1x16xf32>,
      %parallel_loop3A_258 = vector.shape_cast %parallel_loop3A_257 : vector<1x16xf32> to vector<16xf32>
      %parallel_loop3A_259 = vector.shape_cast %parallel_loop3A_254 : vector<16xf32> to vector<1x16xf32>
      tpu.vector_store %arg10[%parallel_loop3A_255, %parallel_loop3A_256], %parallel_loop3A_259 {strides = array<i32>} : memref<160x128xf32, #tpu.memory_space<vmem>>, vector<1x16xf32>,
      %parallel_loop3A_260 = arith.index_cast %parallel_loop3A_105 : i32 to index
      %parallel_loop3A_261 = arith.constant 112 : index
      %parallel_loop3A_262 = tpu.vector_load %arg10[%parallel_loop3A_260, %parallel_loop3A_261] {strides = array<i32>} : memref<160x128xf32, #tpu.memory_space<vmem>>, vector<1x16xf32>,
      %parallel_loop3A_263 = vector.shape_cast %parallel_loop3A_262 : vector<1x16xf32> to vector<16xf32>
      %parallel_loop3A_264 = arith.index_cast %parallel_loop3A_105 : i32 to index
      %parallel_loop3A_265 = arith.constant 112 : index
      %parallel_loop3A_266 = tpu.vector_load %arg11[%parallel_loop3A_264, %parallel_loop3A_265] {strides = array<i32>} : memref<80x128xf32, #tpu.memory_space<vmem>>, vector<1x16xf32>,
      %parallel_loop3A_267 = vector.shape_cast %parallel_loop3A_266 : vector<1x16xf32> to vector<16xf32>
      %parallel_loop3A_268 = arith.addf %parallel_loop3A_263, %parallel_loop3A_267 : vector<16xf32>
      %parallel_loop3A_269 = arith.index_cast %parallel_loop3A_105 : i32 to index
      %parallel_loop3A_270 = arith.constant 112 : index
      %parallel_loop3A_271 = tpu.vector_load %arg13[%parallel_loop3A_269, %parallel_loop3A_270] {strides = array<i32>} : memref<80x128xf32, #tpu.memory_space<vmem>>, vector<1x16xf32>,
      %parallel_loop3A_272 = vector.shape_cast %parallel_loop3A_271 : vector<1x16xf32> to vector<16xf32>
      %parallel_loop3A_273 = arith.addf %parallel_loop3A_268, %parallel_loop3A_272 : vector<16xf32>
      %parallel_loop3A_274 = arith.constant 2.500000e-01 : f32
      %parallel_loop3A_275 = vector.broadcast %parallel_loop3A_274 : f32 to vector<16xf32>
      %parallel_loop3A_276 = arith.mulf %parallel_loop3A_273, %parallel_loop3A_275 : vector<16xf32>
      %parallel_loop3A_277 = arith.index_cast %parallel_loop3A_105 : i32 to index
      %parallel_loop3A_278 = arith.constant 112 : index
      %parallel_loop3A_279 = tpu.vector_load %arg10[%parallel_loop3A_277, %parallel_loop3A_278] {strides = array<i32>} : memref<160x128xf32, #tpu.memory_space<vmem>>, vector<1x16xf32>,
      %parallel_loop3A_280 = vector.shape_cast %parallel_loop3A_279 : vector<1x16xf32> to vector<16xf32>
      %parallel_loop3A_281 = vector.shape_cast %parallel_loop3A_276 : vector<16xf32> to vector<1x16xf32>
      tpu.vector_store %arg10[%parallel_loop3A_277, %parallel_loop3A_278], %parallel_loop3A_281 {strides = array<i32>} : memref<160x128xf32, #tpu.memory_space<vmem>>, vector<1x16xf32>,
    } {sc.loop_unroll_factor = 2 : i64, sc.parallel_access}
    %dma_start3A_50 = arith.constant 0 : i32
    %dma_start3A_51 = arith.constant 0 : i32
    %dma_start3A_52 = tpu.memref_slice %arg10[%dma_start3A_50, %dma_start3A_51] : memref<160x128xf32, #tpu.memory_space<vmem>> -> memref<80x128xf32, #tpu.memory_space<vmem>>
    %dma_start3A_53 = arith.constant 0 : i32
    %dma_start3A_54 = tpu.memref_slice %arg7[%min3A_3, %dma_start3A_53] : memref<5000x128xf32, #tpu.memory_space<hbm>> -> memref<80x128xf32, #tpu.memory_space<hbm>>
    %dma_start3A_55 = arith.constant 0 : i32
    %dma_start3A_56 = tpu.memref_slice %arg7[%min3A_3, %dma_start3A_55] : memref<5000x128xf32, #tpu.memory_space<hbm>> -> memref<80x128xf32, #tpu.memory_space<hbm>>
    %dma_start3A_57 = arith.constant 0 : i32
    %dma_start3A_58 = arith.constant 0 : i32
    %dma_start3A_59 = tpu.memref_slice %arg10[%dma_start3A_57, %dma_start3A_58] : memref<160x128xf32, #tpu.memory_space<vmem>> -> memref<80x128xf32, #tpu.memory_space<vmem>>
    tpu.enqueue_dma source(%dma_start3A_59 : memref<80x128xf32, #tpu.memory_space<vmem>>) target(%dma_start3A_56 : memref<80x128xf32, #tpu.memory_space<hbm>>) target_semaphore(%arg22 : memref<!tpu.dma_semaphore, #tpu.memory_space<semaphore_mem>>)
    %dma_wait3A_60 = arith.constant 80 : i32
    %dma_wait3A_61 = tpu.memref_slice %arg8[%dma_wait3A_60] : memref<160xi32, #tpu.memory_space<vmem>> -> memref<80xi32, #tpu.memory_space<vmem>>
    %dma_wait3A_62 = arith.constant 0 : i32
    %dma_wait3A_63 = arith.constant 0 : i32
    %dma_wait3A_64 = tpu.memref_slice %arg3[%dma_wait3A_62, %dma_wait3A_63] : memref<2000x128xf32, #tpu.memory_space<hbm>> -> memref<2000x128xf32, #tpu.memory_space<hbm>>
    tpu.wait_indirect_dma semaphore(%arg19 : memref<!tpu.dma_semaphore, #tpu.memory_space<semaphore_mem>>) src(%dma_wait3A_64 : memref<2000x128xf32, #tpu.memory_space<hbm>>) dst(%arg12 : memref<80x128xf32, #tpu.memory_space<vmem>>)
    %dma_wait3A_65 = arith.constant 80 : i32
    %dma_wait3A_66 = tpu.memref_slice %arg9[%dma_wait3A_65] : memref<160xi32, #tpu.memory_space<vmem>> -> memref<80xi32, #tpu.memory_space<vmem>>
    %dma_wait3A_67 = arith.constant 0 : i32
    %dma_wait3A_68 = arith.constant 0 : i32
    %dma_wait3A_69 = tpu.memref_slice %arg4[%dma_wait3A_67, %dma_wait3A_68] : memref<4000x128xf32, #tpu.memory_space<hbm>> -> memref<4000x128xf32, #tpu.memory_space<hbm>>
    tpu.wait_indirect_dma semaphore(%arg21 : memref<!tpu.dma_semaphore, #tpu.memory_space<semaphore_mem>>) src(%dma_wait3A_69 : memref<4000x128xf32, #tpu.memory_space<hbm>>) dst(%arg14 : memref<80x128xf32, #tpu.memory_space<vmem>>)
    %parallel_loop3A_70 = arith.constant 0 : i32
    %parallel_loop3A_71 = arith.constant 80 : i32
    %parallel_loop3A_72 = arith.constant 1 : i32
    scf.for %parallel_loop3A_105 = %parallel_loop3A_70 to %parallel_loop3A_71 step %parallel_loop3A_72  : i32 {
      %parallel_loop3A_106 = arith.constant 80 : i32
      %parallel_loop3A_107 = arith.addi %parallel_loop3A_105, %parallel_loop3A_106 : i32
      %parallel_loop3A_108 = arith.index_cast %parallel_loop3A_107 : i32 to index
      %parallel_loop3A_109 = arith.constant 0 : index
      %parallel_loop3A_110 = tpu.vector_load %arg10[%parallel_loop3A_108, %parallel_loop3A_109] {strides = array<i32>} : memref<160x128xf32, #tpu.memory_space<vmem>>, vector<1x16xf32>,
      %parallel_loop3A_111 = vector.shape_cast %parallel_loop3A_110 : vector<1x16xf32> to vector<16xf32>
      %parallel_loop3A_112 = arith.index_cast %parallel_loop3A_105 : i32 to index
      %parallel_loop3A_113 = arith.constant 0 : index
      %parallel_loop3A_114 = tpu.vector_load %arg12[%parallel_loop3A_112, %parallel_loop3A_113] {strides = array<i32>} : memref<80x128xf32, #tpu.memory_space<vmem>>, vector<1x16xf32>,
      %parallel_loop3A_115 = vector.shape_cast %parallel_loop3A_114 : vector<1x16xf32> to vector<16xf32>
      %parallel_loop3A_116 = arith.addf %parallel_loop3A_111, %parallel_loop3A_115 : vector<16xf32>
      %parallel_loop3A_117 = arith.index_cast %parallel_loop3A_105 : i32 to index
      %parallel_loop3A_118 = arith.constant 0 : index
      %parallel_loop3A_119 = tpu.vector_load %arg14[%parallel_loop3A_117, %parallel_loop3A_118] {strides = array<i32>} : memref<80x128xf32, #tpu.memory_space<vmem>>, vector<1x16xf32>,
      %parallel_loop3A_120 = vector.shape_cast %parallel_loop3A_119 : vector<1x16xf32> to vector<16xf32>
      %parallel_loop3A_121 = arith.addf %parallel_loop3A_116, %parallel_loop3A_120 : vector<16xf32>
      %parallel_loop3A_122 = arith.constant 2.500000e-01 : f32
      %parallel_loop3A_123 = vector.broadcast %parallel_loop3A_122 : f32 to vector<16xf32>
      %parallel_loop3A_124 = arith.mulf %parallel_loop3A_121, %parallel_loop3A_123 : vector<16xf32>
      %parallel_loop3A_125 = arith.index_cast %parallel_loop3A_107 : i32 to index
      %parallel_loop3A_126 = arith.constant 0 : index
      %parallel_loop3A_127 = tpu.vector_load %arg10[%parallel_loop3A_125, %parallel_loop3A_126] {strides = array<i32>} : memref<160x128xf32, #tpu.memory_space<vmem>>, vector<1x16xf32>,
      %parallel_loop3A_128 = vector.shape_cast %parallel_loop3A_127 : vector<1x16xf32> to vector<16xf32>
      %parallel_loop3A_129 = vector.shape_cast %parallel_loop3A_124 : vector<16xf32> to vector<1x16xf32>
      tpu.vector_store %arg10[%parallel_loop3A_125, %parallel_loop3A_126], %parallel_loop3A_129 {strides = array<i32>} : memref<160x128xf32, #tpu.memory_space<vmem>>, vector<1x16xf32>,
      %parallel_loop3A_130 = arith.constant 80 : i32
      %parallel_loop3A_131 = arith.addi %parallel_loop3A_105, %parallel_loop3A_130 : i32
      %parallel_loop3A_132 = arith.index_cast %parallel_loop3A_131 : i32 to index
      %parallel_loop3A_133 = arith.constant 16 : index
      %parallel_loop3A_134 = tpu.vector_load %arg10[%parallel_loop3A_132, %parallel_loop3A_133] {strides = array<i32>} : memref<160x128xf32, #tpu.memory_space<vmem>>, vector<1x16xf32>,
      %parallel_loop3A_135 = vector.shape_cast %parallel_loop3A_134 : vector<1x16xf32> to vector<16xf32>
      %parallel_loop3A_136 = arith.index_cast %parallel_loop3A_105 : i32 to index
      %parallel_loop3A_137 = arith.constant 16 : index
      %parallel_loop3A_138 = tpu.vector_load %arg12[%parallel_loop3A_136, %parallel_loop3A_137] {strides = array<i32>} : memref<80x128xf32, #tpu.memory_space<vmem>>, vector<1x16xf32>,
      %parallel_loop3A_139 = vector.shape_cast %parallel_loop3A_138 : vector<1x16xf32> to vector<16xf32>
      %parallel_loop3A_140 = arith.addf %parallel_loop3A_135, %parallel_loop3A_139 : vector<16xf32>
      %parallel_loop3A_141 = arith.index_cast %parallel_loop3A_105 : i32 to index
      %parallel_loop3A_142 = arith.constant 16 : index
      %parallel_loop3A_143 = tpu.vector_load %arg14[%parallel_loop3A_141, %parallel_loop3A_142] {strides = array<i32>} : memref<80x128xf32, #tpu.memory_space<vmem>>, vector<1x16xf32>,
      %parallel_loop3A_144 = vector.shape_cast %parallel_loop3A_143 : vector<1x16xf32> to vector<16xf32>
      %parallel_loop3A_145 = arith.addf %parallel_loop3A_140, %parallel_loop3A_144 : vector<16xf32>
      %parallel_loop3A_146 = arith.constant 2.500000e-01 : f32
      %parallel_loop3A_147 = vector.broadcast %parallel_loop3A_146 : f32 to vector<16xf32>
      %parallel_loop3A_148 = arith.mulf %parallel_loop3A_145, %parallel_loop3A_147 : vector<16xf32>
      %parallel_loop3A_149 = arith.index_cast %parallel_loop3A_131 : i32 to index
      %parallel_loop3A_150 = arith.constant 16 : index
      %parallel_loop3A_151 = tpu.vector_load %arg10[%parallel_loop3A_149, %parallel_loop3A_150] {strides = array<i32>} : memref<160x128xf32, #tpu.memory_space<vmem>>, vector<1x16xf32>,
      %parallel_loop3A_152 = vector.shape_cast %parallel_loop3A_151 : vector<1x16xf32> to vector<16xf32>
      %parallel_loop3A_153 = vector.shape_cast %parallel_loop3A_148 : vector<16xf32> to vector<1x16xf32>
      tpu.vector_store %arg10[%parallel_loop3A_149, %parallel_loop3A_150], %parallel_loop3A_153 {strides = array<i32>} : memref<160x128xf32, #tpu.memory_space<vmem>>, vector<1x16xf32>,
      %parallel_loop3A_154 = arith.constant 80 : i32
      %parallel_loop3A_155 = arith.addi %parallel_loop3A_105, %parallel_loop3A_154 : i32
      %parallel_loop3A_156 = arith.index_cast %parallel_loop3A_155 : i32 to index
      %parallel_loop3A_157 = arith.constant 32 : index
      %parallel_loop3A_158 = tpu.vector_load %arg10[%parallel_loop3A_156, %parallel_loop3A_157] {strides = array<i32>} : memref<160x128xf32, #tpu.memory_space<vmem>>, vector<1x16xf32>,
      %parallel_loop3A_159 = vector.shape_cast %parallel_loop3A_158 : vector<1x16xf32> to vector<16xf32>
      %parallel_loop3A_160 = arith.index_cast %parallel_loop3A_105 : i32 to index
      %parallel_loop3A_161 = arith.constant 32 : index
      %parallel_loop3A_162 = tpu.vector_load %arg12[%parallel_loop3A_160, %parallel_loop3A_161] {strides = array<i32>} : memref<80x128xf32, #tpu.memory_space<vmem>>, vector<1x16xf32>,
      %parallel_loop3A_163 = vector.shape_cast %parallel_loop3A_162 : vector<1x16xf32> to vector<16xf32>
      %parallel_loop3A_164 = arith.addf %parallel_loop3A_159, %parallel_loop3A_163 : vector<16xf32>
      %parallel_loop3A_165 = arith.index_cast %parallel_loop3A_105 : i32 to index
      %parallel_loop3A_166 = arith.constant 32 : index
      %parallel_loop3A_167 = tpu.vector_load %arg14[%parallel_loop3A_165, %parallel_loop3A_166] {strides = array<i32>} : memref<80x128xf32, #tpu.memory_space<vmem>>, vector<1x16xf32>,
      %parallel_loop3A_168 = vector.shape_cast %parallel_loop3A_167 : vector<1x16xf32> to vector<16xf32>
      %parallel_loop3A_169 = arith.addf %parallel_loop3A_164, %parallel_loop3A_168 : vector<16xf32>
      %parallel_loop3A_170 = arith.constant 2.500000e-01 : f32
      %parallel_loop3A_171 = vector.broadcast %parallel_loop3A_170 : f32 to vector<16xf32>
      %parallel_loop3A_172 = arith.mulf %parallel_loop3A_169, %parallel_loop3A_171 : vector<16xf32>
      %parallel_loop3A_173 = arith.index_cast %parallel_loop3A_155 : i32 to index
      %parallel_loop3A_174 = arith.constant 32 : index
      %parallel_loop3A_175 = tpu.vector_load %arg10[%parallel_loop3A_173, %parallel_loop3A_174] {strides = array<i32>} : memref<160x128xf32, #tpu.memory_space<vmem>>, vector<1x16xf32>,
      %parallel_loop3A_176 = vector.shape_cast %parallel_loop3A_175 : vector<1x16xf32> to vector<16xf32>
      %parallel_loop3A_177 = vector.shape_cast %parallel_loop3A_172 : vector<16xf32> to vector<1x16xf32>
      tpu.vector_store %arg10[%parallel_loop3A_173, %parallel_loop3A_174], %parallel_loop3A_177 {strides = array<i32>} : memref<160x128xf32, #tpu.memory_space<vmem>>, vector<1x16xf32>,
      %parallel_loop3A_178 = arith.constant 80 : i32
      %parallel_loop3A_179 = arith.addi %parallel_loop3A_105, %parallel_loop3A_178 : i32
      %parallel_loop3A_180 = arith.index_cast %parallel_loop3A_179 : i32 to index
      %parallel_loop3A_181 = arith.constant 48 : index
      %parallel_loop3A_182 = tpu.vector_load %arg10[%parallel_loop3A_180, %parallel_loop3A_181] {strides = array<i32>} : memref<160x128xf32, #tpu.memory_space<vmem>>, vector<1x16xf32>,
      %parallel_loop3A_183 = vector.shape_cast %parallel_loop3A_182 : vector<1x16xf32> to vector<16xf32>
      %parallel_loop3A_184 = arith.index_cast %parallel_loop3A_105 : i32 to index
      %parallel_loop3A_185 = arith.constant 48 : index
      %parallel_loop3A_186 = tpu.vector_load %arg12[%parallel_loop3A_184, %parallel_loop3A_185] {strides = array<i32>} : memref<80x128xf32, #tpu.memory_space<vmem>>, vector<1x16xf32>,
      %parallel_loop3A_187 = vector.shape_cast %parallel_loop3A_186 : vector<1x16xf32> to vector<16xf32>
      %parallel_loop3A_188 = arith.addf %parallel_loop3A_183, %parallel_loop3A_187 : vector<16xf32>
      %parallel_loop3A_189 = arith.index_cast %parallel_loop3A_105 : i32 to index
      %parallel_loop3A_190 = arith.constant 48 : index
      %parallel_loop3A_191 = tpu.vector_load %arg14[%parallel_loop3A_189, %parallel_loop3A_190] {strides = array<i32>} : memref<80x128xf32, #tpu.memory_space<vmem>>, vector<1x16xf32>,
      %parallel_loop3A_192 = vector.shape_cast %parallel_loop3A_191 : vector<1x16xf32> to vector<16xf32>
      %parallel_loop3A_193 = arith.addf %parallel_loop3A_188, %parallel_loop3A_192 : vector<16xf32>
      %parallel_loop3A_194 = arith.constant 2.500000e-01 : f32
      %parallel_loop3A_195 = vector.broadcast %parallel_loop3A_194 : f32 to vector<16xf32>
      %parallel_loop3A_196 = arith.mulf %parallel_loop3A_193, %parallel_loop3A_195 : vector<16xf32>
      %parallel_loop3A_197 = arith.index_cast %parallel_loop3A_179 : i32 to index
      %parallel_loop3A_198 = arith.constant 48 : index
      %parallel_loop3A_199 = tpu.vector_load %arg10[%parallel_loop3A_197, %parallel_loop3A_198] {strides = array<i32>} : memref<160x128xf32, #tpu.memory_space<vmem>>, vector<1x16xf32>,
      %parallel_loop3A_200 = vector.shape_cast %parallel_loop3A_199 : vector<1x16xf32> to vector<16xf32>
      %parallel_loop3A_201 = vector.shape_cast %parallel_loop3A_196 : vector<16xf32> to vector<1x16xf32>
      tpu.vector_store %arg10[%parallel_loop3A_197, %parallel_loop3A_198], %parallel_loop3A_201 {strides = array<i32>} : memref<160x128xf32, #tpu.memory_space<vmem>>, vector<1x16xf32>,
      %parallel_loop3A_202 = arith.constant 80 : i32
      %parallel_loop3A_203 = arith.addi %parallel_loop3A_105, %parallel_loop3A_202 : i32
      %parallel_loop3A_204 = arith.index_cast %parallel_loop3A_203 : i32 to index
      %parallel_loop3A_205 = arith.constant 64 : index
      %parallel_loop3A_206 = tpu.vector_load %arg10[%parallel_loop3A_204, %parallel_loop3A_205] {strides = array<i32>} : memref<160x128xf32, #tpu.memory_space<vmem>>, vector<1x16xf32>,
      %parallel_loop3A_207 = vector.shape_cast %parallel_loop3A_206 : vector<1x16xf32> to vector<16xf32>
      %parallel_loop3A_208 = arith.index_cast %parallel_loop3A_105 : i32 to index
      %parallel_loop3A_209 = arith.constant 64 : index
      %parallel_loop3A_210 = tpu.vector_load %arg12[%parallel_loop3A_208, %parallel_loop3A_209] {strides = array<i32>} : memref<80x128xf32, #tpu.memory_space<vmem>>, vector<1x16xf32>,
      %parallel_loop3A_211 = vector.shape_cast %parallel_loop3A_210 : vector<1x16xf32> to vector<16xf32>
      %parallel_loop3A_212 = arith.addf %parallel_loop3A_207, %parallel_loop3A_211 : vector<16xf32>
      %parallel_loop3A_213 = arith.index_cast %parallel_loop3A_105 : i32 to index
      %parallel_loop3A_214 = arith.constant 64 : index
      %parallel_loop3A_215 = tpu.vector_load %arg14[%parallel_loop3A_213, %parallel_loop3A_214] {strides = array<i32>} : memref<80x128xf32, #tpu.memory_space<vmem>>, vector<1x16xf32>,
      %parallel_loop3A_216 = vector.shape_cast %parallel_loop3A_215 : vector<1x16xf32> to vector<16xf32>
      %parallel_loop3A_217 = arith.addf %parallel_loop3A_212, %parallel_loop3A_216 : vector<16xf32>
      %parallel_loop3A_218 = arith.constant 2.500000e-01 : f32
      %parallel_loop3A_219 = vector.broadcast %parallel_loop3A_218 : f32 to vector<16xf32>
      %parallel_loop3A_220 = arith.mulf %parallel_loop3A_217, %parallel_loop3A_219 : vector<16xf32>
      %parallel_loop3A_221 = arith.index_cast %parallel_loop3A_203 : i32 to index
      %parallel_loop3A_222 = arith.constant 64 : index
      %parallel_loop3A_223 = tpu.vector_load %arg10[%parallel_loop3A_221, %parallel_loop3A_222] {strides = array<i32>} : memref<160x128xf32, #tpu.memory_space<vmem>>, vector<1x16xf32>,
      %parallel_loop3A_224 = vector.shape_cast %parallel_loop3A_223 : vector<1x16xf32> to vector<16xf32>
      %parallel_loop3A_225 = vector.shape_cast %parallel_loop3A_220 : vector<16xf32> to vector<1x16xf32>
      tpu.vector_store %arg10[%parallel_loop3A_221, %parallel_loop3A_222], %parallel_loop3A_225 {strides = array<i32>} : memref<160x128xf32, #tpu.memory_space<vmem>>, vector<1x16xf32>,
      %parallel_loop3A_226 = arith.constant 80 : i32
      %parallel_loop3A_227 = arith.addi %parallel_loop3A_105, %parallel_loop3A_226 : i32
      %parallel_loop3A_228 = arith.index_cast %parallel_loop3A_227 : i32 to index
      %parallel_loop3A_229 = arith.constant 80 : index
      %parallel_loop3A_230 = tpu.vector_load %arg10[%parallel_loop3A_228, %parallel_loop3A_229] {strides = array<i32>} : memref<160x128xf32, #tpu.memory_space<vmem>>, vector<1x16xf32>,
      %parallel_loop3A_231 = vector.shape_cast %parallel_loop3A_230 : vector<1x16xf32> to vector<16xf32>
      %parallel_loop3A_232 = arith.index_cast %parallel_loop3A_105 : i32 to index
      %parallel_loop3A_233 = arith.constant 80 : index
      %parallel_loop3A_234 = tpu.vector_load %arg12[%parallel_loop3A_232, %parallel_loop3A_233] {strides = array<i32>} : memref<80x128xf32, #tpu.memory_space<vmem>>, vector<1x16xf32>,
      %parallel_loop3A_235 = vector.shape_cast %parallel_loop3A_234 : vector<1x16xf32> to vector<16xf32>
      %parallel_loop3A_236 = arith.addf %parallel_loop3A_231, %parallel_loop3A_235 : vector<16xf32>
      %parallel_loop3A_237 = arith.index_cast %parallel_loop3A_105 : i32 to index
      %parallel_loop3A_238 = arith.constant 80 : index
      %parallel_loop3A_239 = tpu.vector_load %arg14[%parallel_loop3A_237, %parallel_loop3A_238] {strides = array<i32>} : memref<80x128xf32, #tpu.memory_space<vmem>>, vector<1x16xf32>,
      %parallel_loop3A_240 = vector.shape_cast %parallel_loop3A_239 : vector<1x16xf32> to vector<16xf32>
      %parallel_loop3A_241 = arith.addf %parallel_loop3A_236, %parallel_loop3A_240 : vector<16xf32>
      %parallel_loop3A_242 = arith.constant 2.500000e-01 : f32
      %parallel_loop3A_243 = vector.broadcast %parallel_loop3A_242 : f32 to vector<16xf32>
      %parallel_loop3A_244 = arith.mulf %parallel_loop3A_241, %parallel_loop3A_243 : vector<16xf32>
      %parallel_loop3A_245 = arith.index_cast %parallel_loop3A_227 : i32 to index
      %parallel_loop3A_246 = arith.constant 80 : index
      %parallel_loop3A_247 = tpu.vector_load %arg10[%parallel_loop3A_245, %parallel_loop3A_246] {strides = array<i32>} : memref<160x128xf32, #tpu.memory_space<vmem>>, vector<1x16xf32>,
      %parallel_loop3A_248 = vector.shape_cast %parallel_loop3A_247 : vector<1x16xf32> to vector<16xf32>
      %parallel_loop3A_249 = vector.shape_cast %parallel_loop3A_244 : vector<16xf32> to vector<1x16xf32>
      tpu.vector_store %arg10[%parallel_loop3A_245, %parallel_loop3A_246], %parallel_loop3A_249 {strides = array<i32>} : memref<160x128xf32, #tpu.memory_space<vmem>>, vector<1x16xf32>,
      %parallel_loop3A_250 = arith.constant 80 : i32
      %parallel_loop3A_251 = arith.addi %parallel_loop3A_105, %parallel_loop3A_250 : i32
      %parallel_loop3A_252 = arith.index_cast %parallel_loop3A_251 : i32 to index
      %parallel_loop3A_253 = arith.constant 96 : index
      %parallel_loop3A_254 = tpu.vector_load %arg10[%parallel_loop3A_252, %parallel_loop3A_253] {strides = array<i32>} : memref<160x128xf32, #tpu.memory_space<vmem>>, vector<1x16xf32>,
      %parallel_loop3A_255 = vector.shape_cast %parallel_loop3A_254 : vector<1x16xf32> to vector<16xf32>
      %parallel_loop3A_256 = arith.index_cast %parallel_loop3A_105 : i32 to index
      %parallel_loop3A_257 = arith.constant 96 : index
      %parallel_loop3A_258 = tpu.vector_load %arg12[%parallel_loop3A_256, %parallel_loop3A_257] {strides = array<i32>} : memref<80x128xf32, #tpu.memory_space<vmem>>, vector<1x16xf32>,
      %parallel_loop3A_259 = vector.shape_cast %parallel_loop3A_258 : vector<1x16xf32> to vector<16xf32>
      %parallel_loop3A_260 = arith.addf %parallel_loop3A_255, %parallel_loop3A_259 : vector<16xf32>
      %parallel_loop3A_261 = arith.index_cast %parallel_loop3A_105 : i32 to index
      %parallel_loop3A_262 = arith.constant 96 : index
      %parallel_loop3A_263 = tpu.vector_load %arg14[%parallel_loop3A_261, %parallel_loop3A_262] {strides = array<i32>} : memref<80x128xf32, #tpu.memory_space<vmem>>, vector<1x16xf32>,
      %parallel_loop3A_264 = vector.shape_cast %parallel_loop3A_263 : vector<1x16xf32> to vector<16xf32>
      %parallel_loop3A_265 = arith.addf %parallel_loop3A_260, %parallel_loop3A_264 : vector<16xf32>
      %parallel_loop3A_266 = arith.constant 2.500000e-01 : f32
      %parallel_loop3A_267 = vector.broadcast %parallel_loop3A_266 : f32 to vector<16xf32>
      %parallel_loop3A_268 = arith.mulf %parallel_loop3A_265, %parallel_loop3A_267 : vector<16xf32>
      %parallel_loop3A_269 = arith.index_cast %parallel_loop3A_251 : i32 to index
      %parallel_loop3A_270 = arith.constant 96 : index
      %parallel_loop3A_271 = tpu.vector_load %arg10[%parallel_loop3A_269, %parallel_loop3A_270] {strides = array<i32>} : memref<160x128xf32, #tpu.memory_space<vmem>>, vector<1x16xf32>,
      %parallel_loop3A_272 = vector.shape_cast %parallel_loop3A_271 : vector<1x16xf32> to vector<16xf32>
      %parallel_loop3A_273 = vector.shape_cast %parallel_loop3A_268 : vector<16xf32> to vector<1x16xf32>
      tpu.vector_store %arg10[%parallel_loop3A_269, %parallel_loop3A_270], %parallel_loop3A_273 {strides = array<i32>} : memref<160x128xf32, #tpu.memory_space<vmem>>, vector<1x16xf32>,
      %parallel_loop3A_274 = arith.constant 80 : i32
      %parallel_loop3A_275 = arith.addi %parallel_loop3A_105, %parallel_loop3A_274 : i32
      %parallel_loop3A_276 = arith.index_cast %parallel_loop3A_275 : i32 to index
      %parallel_loop3A_277 = arith.constant 112 : index
      %parallel_loop3A_278 = tpu.vector_load %arg10[%parallel_loop3A_276, %parallel_loop3A_277] {strides = array<i32>} : memref<160x128xf32, #tpu.memory_space<vmem>>, vector<1x16xf32>,
      %parallel_loop3A_279 = vector.shape_cast %parallel_loop3A_278 : vector<1x16xf32> to vector<16xf32>
      %parallel_loop3A_280 = arith.index_cast %parallel_loop3A_105 : i32 to index
      %parallel_loop3A_281 = arith.constant 112 : index
      %parallel_loop3A_282 = tpu.vector_load %arg12[%parallel_loop3A_280, %parallel_loop3A_281] {strides = array<i32>} : memref<80x128xf32, #tpu.memory_space<vmem>>, vector<1x16xf32>,
      %parallel_loop3A_283 = vector.shape_cast %parallel_loop3A_282 : vector<1x16xf32> to vector<16xf32>
      %parallel_loop3A_284 = arith.addf %parallel_loop3A_279, %parallel_loop3A_283 : vector<16xf32>
      %parallel_loop3A_285 = arith.index_cast %parallel_loop3A_105 : i32 to index
      %parallel_loop3A_286 = arith.constant 112 : index
      %parallel_loop3A_287 = tpu.vector_load %arg14[%parallel_loop3A_285, %parallel_loop3A_286] {strides = array<i32>} : memref<80x128xf32, #tpu.memory_space<vmem>>, vector<1x16xf32>,
      %parallel_loop3A_288 = vector.shape_cast %parallel_loop3A_287 : vector<1x16xf32> to vector<16xf32>
      %parallel_loop3A_289 = arith.addf %parallel_loop3A_284, %parallel_loop3A_288 : vector<16xf32>
      %parallel_loop3A_290 = arith.constant 2.500000e-01 : f32
      %parallel_loop3A_291 = vector.broadcast %parallel_loop3A_290 : f32 to vector<16xf32>
      %parallel_loop3A_292 = arith.mulf %parallel_loop3A_289, %parallel_loop3A_291 : vector<16xf32>
      %parallel_loop3A_293 = arith.index_cast %parallel_loop3A_275 : i32 to index
      %parallel_loop3A_294 = arith.constant 112 : index
      %parallel_loop3A_295 = tpu.vector_load %arg10[%parallel_loop3A_293, %parallel_loop3A_294] {strides = array<i32>} : memref<160x128xf32, #tpu.memory_space<vmem>>, vector<1x16xf32>,
      %parallel_loop3A_296 = vector.shape_cast %parallel_loop3A_295 : vector<1x16xf32> to vector<16xf32>
      %parallel_loop3A_297 = vector.shape_cast %parallel_loop3A_292 : vector<16xf32> to vector<1x16xf32>
      tpu.vector_store %arg10[%parallel_loop3A_293, %parallel_loop3A_294], %parallel_loop3A_297 {strides = array<i32>} : memref<160x128xf32, #tpu.memory_space<vmem>>, vector<1x16xf32>,
    } {sc.loop_unroll_factor = 2 : i64, sc.parallel_access}
    %add3A_73 = arith.constant 80 : i32
    %add3A_74 = arith.addi %min3A_3, %add3A_73 : i32
    %dma_start3A_75 = arith.constant 80 : i32
    %dma_start3A_76 = arith.constant 0 : i32
    %dma_start3A_77 = tpu.memref_slice %arg10[%dma_start3A_75, %dma_start3A_76] : memref<160x128xf32, #tpu.memory_space<vmem>> -> memref<80x128xf32, #tpu.memory_space<vmem>>
    %dma_start3A_78 = arith.constant 0 : i32
    %dma_start3A_79 = tpu.memref_slice %arg7[%add3A_74, %dma_start3A_78] : memref<5000x128xf32, #tpu.memory_space<hbm>> -> memref<80x128xf32, #tpu.memory_space<hbm>>
    %dma_start3A_80 = arith.constant 0 : i32
    %dma_start3A_81 = tpu.memref_slice %arg7[%add3A_74, %dma_start3A_80] : memref<5000x128xf32, #tpu.memory_space<hbm>> -> memref<80x128xf32, #tpu.memory_space<hbm>>
    %dma_start3A_82 = arith.constant 80 : i32
    %dma_start3A_83 = arith.constant 0 : i32
    %dma_start3A_84 = tpu.memref_slice %arg10[%dma_start3A_82, %dma_start3A_83] : memref<160x128xf32, #tpu.memory_space<vmem>> -> memref<80x128xf32, #tpu.memory_space<vmem>>
    tpu.enqueue_dma source(%dma_start3A_84 : memref<80x128xf32, #tpu.memory_space<vmem>>) target(%dma_start3A_81 : memref<80x128xf32, #tpu.memory_space<hbm>>) target_semaphore(%arg23 : memref<!tpu.dma_semaphore, #tpu.memory_space<semaphore_mem>>)
    %dma_wait3A_85 = arith.constant 0 : i32
    %dma_wait3A_86 = arith.constant 0 : i32
    %dma_wait3A_87 = tpu.memref_slice %arg10[%dma_wait3A_85, %dma_wait3A_86] : memref<160x128xf32, #tpu.memory_space<vmem>> -> memref<80x128xf32, #tpu.memory_space<vmem>>
    %dma_wait3A_88 = arith.constant 0 : i32
    %dma_wait3A_89 = tpu.memref_slice %arg7[%min3A_3, %dma_wait3A_88] : memref<5000x128xf32, #tpu.memory_space<hbm>> -> memref<80x128xf32, #tpu.memory_space<hbm>>
    %dma_wait3A_90 = arith.constant 0 : i32
    %dma_wait3A_91 = tpu.memref_slice %arg7[%min3A_3, %dma_wait3A_90] : memref<5000x128xf32, #tpu.memory_space<hbm>> -> memref<80x128xf32, #tpu.memory_space<hbm>>
    %dma_wait3A_92 = arith.constant 0 : i32
    %dma_wait3A_93 = arith.constant 0 : i32
    %dma_wait3A_94 = tpu.memref_slice %arg10[%dma_wait3A_92, %dma_wait3A_93] : memref<160x128xf32, #tpu.memory_space<vmem>> -> memref<80x128xf32, #tpu.memory_space<vmem>>
    tpu.wait_dma2 semaphore(%arg22 : memref<!tpu.dma_semaphore, #tpu.memory_space<semaphore_mem>>) src(%dma_wait3A_94 : memref<80x128xf32, #tpu.memory_space<vmem>>) dst(%dma_wait3A_91 : memref<80x128xf32, #tpu.memory_space<hbm>>)
    %dma_wait3A_95 = arith.constant 80 : i32
    %dma_wait3A_96 = arith.constant 0 : i32
    %dma_wait3A_97 = tpu.memref_slice %arg10[%dma_wait3A_95, %dma_wait3A_96] : memref<160x128xf32, #tpu.memory_space<vmem>> -> memref<80x128xf32, #tpu.memory_space<vmem>>
    %dma_wait3A_98 = arith.constant 0 : i32
    %dma_wait3A_99 = tpu.memref_slice %arg7[%add3A_74, %dma_wait3A_98] : memref<5000x128xf32, #tpu.memory_space<hbm>> -> memref<80x128xf32, #tpu.memory_space<hbm>>
    %dma_wait3A_100 = arith.constant 0 : i32
    %dma_wait3A_101 = tpu.memref_slice %arg7[%add3A_74, %dma_wait3A_100] : memref<5000x128xf32, #tpu.memory_space<hbm>> -> memref<80x128xf32, #tpu.memory_space<hbm>>
    %dma_wait3A_102 = arith.constant 80 : i32
    %dma_wait3A_103 = arith.constant 0 : i32
    %dma_wait3A_104 = tpu.memref_slice %arg10[%dma_wait3A_102, %dma_wait3A_103] : memref<160x128xf32, #tpu.memory_space<vmem>> -> memref<80x128xf32, #tpu.memory_space<vmem>>
    tpu.wait_dma2 semaphore(%arg23 : memref<!tpu.dma_semaphore, #tpu.memory_space<semaphore_mem>>) src(%dma_wait3A_104 : memref<80x128xf32, #tpu.memory_space<vmem>>) dst(%dma_wait3A_101 : memref<80x128xf32, #tpu.memory_space<hbm>>)
    return
  }
}

module attributes {stable_mosaic.version = 14 : i64} {
  func.func @_user_body(%arg0: memref<5000x128xf32, #tpu.memory_space<vmem>>, %arg1: memref<5000x128xf32, #tpu.memory_space<vmem>>) attributes {dimension_semantics = [], scalar_prefetch = 0 : i64, scratch_operands = 0 : i64, tpu.core_type = #tpu.core_type<tc>} {
    %get3A = arith.constant 0 : index
    %get3A_0 = arith.constant 0 : index
    %get3A_1 = vector.load %arg0[%get3A, %get3A_0] : memref<5000x128xf32, #tpu.memory_space<vmem>>, vector<5000x128xf32>
    %mul3A = arith.constant 2.500000e-01 : f32
    %mul3A_2 = vector.broadcast %mul3A : f32 to vector<5000x128xf32>
    %mul3A_3 = arith.mulf %get3A_1, %mul3A_2 : vector<5000x128xf32>
    %swap3A = arith.constant 0 : index
    %swap3A_4 = arith.constant 0 : index
    %swap3A_5 = vector.load %arg1[%swap3A, %swap3A_4] : memref<5000x128xf32, #tpu.memory_space<vmem>>, vector<5000x128xf32>
    tpu.vector_store %arg1[%swap3A, %swap3A_4], %mul3A_3 {strides = array<i32>} : memref<5000x128xf32, #tpu.memory_space<vmem>>, vector<5000x128xf32>,
    return
  }
}

</mosaic_0001>

<sc_bundles>
// kernel: kernel.4.cloned.1.call-start
scs
__scs_entry_jumppad:
0x0: {  	(pc) =	sbr.rel $0x88, $3  }
0x1: {  	(tag) =	ssettag $0x0;
	lr =	simm.s32 $0x1  }
0x2: {  	[smem:$0x3F9B] =	sst lr;
	_ =	strace $0xD0000000  }
0x3: {  	_ = 	snop  }
0x4: {  	_ = 	snop  }
0x5: {  	_ = 	snop  }
0x6: {  	_ = 	snop  }
0x7: {  	_ = 	snop  }
__scs_overlays_trampoline_lowered:
0x8: {  	[smem:$0x3FAA] =	sst s0  }
0x9: {  	[smem:$0x3FAB] =	sst s1  }
0xa: {  	[smem:$0x3FAC] =	sst s2  }
0xb: {  	[smem:$0x3FAD] =	sst s3  }
0xc: {  	[smem:$0x3FAE] =	sst s4  }
0xd: {  	[smem:$0x3FAF] =	sst s5  }
0xe: {  	[smem:$0x3FB0] =	sst s6  }
0xf: {  	[smem:$0x3FB1] =	sst s7  }
0x10: {  	[smem:$0x3FB2] =	sst s8  }
0x11: {  	[smem:$0x3FB3] =	sst s9;
	s0 =	simm.s32 @!p0 $0x0  }
0x12: {  	s1 =	sld [smem:$0x3F99];
	s0 =	simm.s32 @p0 $0x1  }
0x13: {  	[smem:$0x3FB4] =	sst s0;
	s0 =	simm.s32 @!p1 $0x0  }
0x14: {  	s2 =	sld [smem:$0x3F98];
	s0 =	simm.s32 @p1 $0x1  }
0x15: {  	[smem:$0x3FB5] =	sst s0;
	s0 =	simm.s32 @!p2 $0x0  }
0x16: {  	s3 =	sld [smem:$0x3FDB];
	s0 =	simm.s32 @p2 $0x1  }
0x17: {  	s4 =	simm.s32 $0x1BF5;
	[smem:$0x3FB7] =	sst s0  }
0x18: {  	s0 =	sld [smem:$0x3F9A];
	_ =	swait.ge [sflag:s4], $0x0  }
0x19: {  	s7 =	sld [smem:$0x3F9B]  }
0x1a: {  	s8 =	sadd.s32 $0xFFFFE003, lr  }
0x1b: {  	s9 =	sadd.s32 $0xFFFFFEF7, lr;
	s5 =	simm.s32 $0xFFFFFFFF;
	p2 =	slt.u32 s8, $0xFFFFF086  }
0x1c: {  	p1 =	slt.u32 s9, $0xF7A;
	s5 =	simm.s32 @!p2 $0x0  }
0x1d: {  	s5 =	simm.s32 @p1 $0x1;
	p0 =	seq.s32 s7, s2  }
0x1e: {  	s7 =	smul.u32 @!p0 $0xF7A, s2;
	p2 =	seq.s32 @!p0 s5, $0x0  }
0x1f: {  	s9 =	smul.u32 $0xF7A, s1;
	s8 =	simm.s32 @!p0 $0x1BF5;
	p2 =	por !p2, p0  }
0x20: {  	[sflag:s8] =	ssyncset.s32 @!p0 $0xFFFFF086;
	s6 =	sadd.s32 @!p0 s3, s7;
	s7 =	simm.s32 @!p0 $0x108  }
0x21: {  	s3 =	sadd.s32 s3, s9;
	s6 =	sadd.s32 @!p0 $0x88, s6;
	s7 =	simm.s32 @p2 $0x1082  }
0x22: {  	[simem:s7], [sflag:s8] =	dma.local @!p0 [hbm:s6], $0xF7A  }
0x23: {  	s9 =	sor.u32 $0xD0000000, s2;
	s6 =	simm.s32 $0x108;
	_ =	swait.ge @!p0 [sflag:s8], $0x0  }
0x24: {  	s3 =	sadd.s32 $0x88, s3;
	s6 =	simm.s32 @!p1 $0x1082;
	[sflag:s4] =	ssyncset.s32 $0xFFFFF086  }
0x25: {  	[simem:s6], [sflag:s4] =	dma.local [hbm:s3], $0xF7A  }
0x26: {  	[smem:$0x3F9B] =	sst s1;
	(tag) =	ssettag s2;
	_ =	strace s9  }
0x27: {  	s1 =	sld [smem:$0x3FAB]  }
0x28: {  	s2 =	sld [smem:$0x3FAC]  }
0x29: {  	s4 =	sld [smem:$0x3FAE]  }
0x2a: {  	p0 =	seq.s32 s5, $0x0;
	s5 =	sld [smem:$0x3FAF]  }
0x2b: {  	s6 =	sld [smem:$0x3FB0]  }
0x2c: {  	s7 =	sld [smem:$0x3FB1]  }
0x2d: {  	s3 =	simm.s32 $0x108;
	s8 =	sld [smem:$0x3FB2]  }
0x2e: {  	s3 =	simm.s32 @!p0 $0x1082;
	s9 =	sld [smem:$0x3FB3]  }
0x2f: {  	lr =	sadd.s32 s0, s3;
	s0 =	sld [smem:$0x3FAA]  }
0x30: {  	s3 =	sld [smem:$0x3FAD]  }
0x31: {  	[smem:$0x3FB6] =	sst s10  }
0x32: {  	s10 =	sld [smem:$0x3FB4];
	_ =	sdelay $0x3  }
0x33: {  	p0 =	seq.s32 s10, $0x1;
	s10 =	sld [smem:$0x3FB6];
	_ =	sdelay $0x3  }
0x34: {  	[smem:$0x3FB6] =	sst s10  }
0x35: {  	s10 =	sld [smem:$0x3FB5];
	_ =	sdelay $0x3  }
0x36: {  	p1 =	seq.s32 s10, $0x1;
	s10 =	sld [smem:$0x3FB6];
	_ =	sdelay $0x3  }
0x37: {  	[smem:$0x3FB6] =	sst s10  }
0x38: {  	s10 =	sld [smem:$0x3FB7]  }
0x39: {  	_ = 	snop;
	(pc) =	sbr.ind lr, $3  }
0x3a: {  	_ = 	snop  }
0x3b: {  	_ = 	snop  }
0x3c: {  	p2 =	seq.s32 s10, $0x1;
	s10 =	sld [smem:$0x3FB6]  }
0x3d: {  	_ =	shalt  }
0x3e: {  	_ =	shalt  }
0x3f: {  	_ =	shalt  }
0x40: {  	_ =	shalt  }
0x41: {  	_ =	shalt  }
0x42: {  	_ =	shalt  }
0x43: {  	_ =	shalt  }
0x44: {  	_ =	shalt  }
0x45: {  	_ =	shalt  }
0x46: {  	_ =	shalt  }
0x47: {  	_ =	shalt  }
0x48: {  	_ =	shalt  }
0x49: {  	_ =	shalt  }
0x4a: {  	_ =	shalt  }
0x4b: {  	_ =	shalt  }
0x4c: {  	_ =	shalt  }
0x4d: {  	_ =	shalt  }
0x4e: {  	_ =	shalt  }
0x4f: {  	_ =	shalt  }
0x50: {  	_ =	shalt  }
0x51: {  	_ =	shalt  }
0x52: {  	_ =	shalt  }
0x53: {  	_ =	shalt  }
0x54: {  	_ =	shalt  }
0x55: {  	_ =	shalt  }
0x56: {  	_ =	shalt  }
0x57: {  	_ =	shalt  }
0x58: {  	_ =	shalt  }
0x59: {  	_ =	shalt  }
0x5a: {  	_ =	shalt  }
0x5b: {  	_ =	shalt  }
0x5c: {  	_ =	shalt  }
0x5d: {  	_ =	shalt  }
0x5e: {  	_ =	shalt  }
0x5f: {  	_ =	shalt  }
0x60: {  	_ =	shalt  }
0x61: {  	_ =	shalt  }
0x62: {  	_ =	shalt  }
0x63: {  	_ =	shalt  }
0x64: {  	_ =	shalt  }
0x65: {  	_ =	shalt  }
0x66: {  	_ =	shalt  }
0x67: {  	_ =	shalt  }
0x68: {  	_ =	shalt  }
0x69: {  	_ =	shalt  }
0x6a: {  	_ =	shalt  }
0x6b: {  	_ =	shalt  }
0x6c: {  	_ =	shalt  }
0x6d: {  	_ =	shalt  }
0x6e: {  	_ =	shalt  }
0x6f: {  	_ =	shalt  }
0x70: {  	_ =	shalt  }
0x71: {  	_ =	shalt  }
0x72: {  	_ =	shalt  }
0x73: {  	_ =	shalt  }
0x74: {  	_ =	shalt  }
0x75: {  	_ =	shalt  }
0x76: {  	_ =	shalt  }
0x77: {  	_ =	shalt  }
0x78: {  	_ =	shalt  }
0x79: {  	_ =	shalt  }
0x7a: {  	_ =	shalt  }
0x7b: {  	_ =	shalt  }
0x7c: {  	_ =	shalt  }
0x7d: {  	_ =	shalt  }
0x7e: {  	_ =	shalt  }
0x7f: {  	_ =	shalt  }
0x80: {  	_ =	shalt  }
0x81: {  	_ =	shalt  }
0x82: {  	_ =	shalt  }
0x83: {  	_ =	shalt  }
0x84: {  	_ =	shalt  }
0x85: {  	_ =	shalt  }
0x86: {  	_ =	shalt  }
0x87: {  	_ =	shalt  }
.Lfunc_end0:
.L_simem_size_0:
called_computation_lowered:
.L_overlay_start_0:
0x88: {  	s2 =	sld [smem:$0x3FD9]  }
0x89: {  	s3 =	sld [smem:$0x3FFE];
	_ =	sdelay $0x1  }
0x8a: {  	s1 =	srdreg.scid  }
0x8b: {  	s0 =	sand.u32 $0x1, s1  }
0x8c: {  	s15 =	sshll.u32 s0, $0xA;
	s2 =	sadd.s32 s3, s2  }
0x8d: {  	s2 =	sadd.s32 s2, s15  }
0x8e: {  	[smem:$0x3FC2] =	sst s2  }
0x8f: {  	_ = 	snop  }
0x90: {  	s2 =	sld [smem:$0x3FC8]  }
0x91: {  	s16 =	sld [smem:$0x3FC7]  }
0x92: {  	s4 =	sld [smem:$0x3FD0]  }
0x93: {  	s5 =	sld [smem:$0x3FC6]  }
0x94: {  	s6 =	sld [smem:$0x3FC5]  }
0x95: {  	s8 =	simm.s32 $0xA;
	s9 =	simm.s32 $0x10;
	s7 =	sld [smem:$0x3FC4]  }
0x96: {  	[smem:s9], [sflag:s8] =	dma.local [hbm:s4], $0x1  }
0x97: {  	_ =	swait.eq [sflag:s8], $0x1  }
0x98: {  	[sflag:s8] =	ssyncset.done $0x0  }
0x99: {  	[sflag:s8] =	ssyncadd.s32 $0xFFFFFFFF  }
0x9a: {  	s17 =	sld [smem:$0x11];
	(tm) =	ssettm $0x1  }
0x9b: {  	s18 =	sld [smem:$0x3FFB];
	_ =	sdelay $0x3  }
0x9c: {  	_ =	strace s18  }
0x9d: {  	s8 =	sld [smem:$0x3FFC];
	_ =	sdelay $0x3  }
0x9e: {  	_ =	strace s8  }
0x9f: {  	s8 =	sld [smem:$0x3FFD];
	_ =	sdelay $0x3  }
0xa0: {  	_ =	strace s8  }
0xa1: {  	_ =	strace $0x8FFFFFFF  }
0xa2: {  	s19 =	sld [smem:$0x3FDB];
	_ =	sdelay $0x1  }
0xa3: {  	s20 =	simm.s32 $_scs_section_size  }
0xa4: {  	s10 =	simm.s32 $_size__tile_overlayer_lowered;
	s11 =	simm.s32 $_tile_overlayer_lowered  }
0xa5: {  	s23 =	simm.s32 $0x1BFF;
	s22 =	sshll.u32 s11, $0x1;
	s8 =	sadd.s32 s20, s19  }
0xa6: {  	s12 =	simm.s32 $0x0;
	s21 =	sshll.u32 s10, $0x1;
	s10 =	sadd.s32 s22, s8  }
0xa7: {  	[timem:s12], [sflag:s23] =	dma.local [hbm:s10], s21  }
0xa8: {  	_ =	swait.ge [sflag:s23], s21  }
0xa9: {  	s9 =	ssub.s32 $0x0, s21;
	[sflag:s23] =	ssyncset.done $0x0  }
0xaa: {  	[sflag:s23] =	ssyncadd.s32 s9;
	_ =	sdelay $0x1  }
0xab: {  	s24 =	simm.s32 $0x1B8B  }
0xac: {  	_ =	swait.ge [sflag:s24], $0x1  }
0xad: {  	[sflag:s24] =	ssyncset.done $0x0  }
0xae: {  	s25 =	simm.s32 $0x1B8E;
	[sflag:s24] =	ssyncadd.s32 $0xFFFFFFFF  }
0xaf: {  	s26 =	simm.s32 $execute0_lowered;
	[smem:$0x3FD2] =	sst s25  }
0xb0: {  	s9 =	sshll.u32 s26, $0x1;
	_ =	strace $0x80000046;
	[dreg:$0x1] =	wrdreg $0xFFFFFFFF  }
0xb1: {  	s28 =	simm.s32 $_size_execute0_lowered;
	s8 =	sadd.s32 s8, s9;
	[dreg:$0x0] =	wrdreg $0x0  }
0xb2: {  	s9 =	sshll.u32 s28, $0x1;
	[dreg:$0x2] =	wrdreg s8  }
0xb3: {  	[dreg:$0x3] =	wrdreg s9  }
0xb4: {  	[dreg:$0x4] =	wrdreg $0xC0  }
0xb5: {  	_ =	task [dreg:s12], $0x5FFFF  }
0xb6: {  	[dreg:$0x1] =	wrdreg $0xFFFFFFFF  }
0xb7: {  	[dreg:$0x0] =	wrdreg $0x60  }
0xb8: {  	[dreg:$0x2] =	wrdreg s5  }
0xb9: {  	[dreg:$0x3] =	wrdreg s2  }
0xba: {  	[dreg:$0x4] =	wrdreg s16  }
0xbb: {  	[dreg:$0x5] =	wrdreg s6  }
0xbc: {  	[dreg:$0x6] =	wrdreg s7  }
0xbd: {  	[dreg:$0x7] =	wrdreg s17  }
0xbe: {  	[dreg:$0x8] =	wrdreg $0x9  }
0xbf: {  	_ =	task.clear_ibuf [dreg:s12], $0x9FFFF;
	_ =	strace $0x90000046  }
0xc0: {  	s29 =	simm.s32 $0x9;
	_ =	strace $0x80000048  }
0xc1: {  	_ =	swait.ge [sflag:s29], $0x1  }
0xc2: {  	[sflag:s29] =	ssyncadd.s32 $0xFFFFFFFF  }
0xc3: {  	_ =	strace $0x90000048  }
0xc4: {  	_ =	sfence  }
0xc5: {  	s30 =	sld [smem:$0x0];
	_ =	sdelay $0x2  }
0xc6: {  	s31 =	sshll.u32 s1, $0xD;
	s1 =	sshrl.u32 s1, $0x2  }
0xc7: {  	s3 =	sand.u32 $0x4000, s31;
	s1 =	sadd.s32 s1, s30  }
0xc8: {  	s0 =	sor.u32 s3, s0;
	s1 =	sshll.u32 s1, $0x11  }
0xc9: {  	s0 =	sor.u32 s1, s0  }
0xca: {  	s0 =	sadd.s32 $0x8F2B, s0  }
0xcb: {  	[sflag:s0] =	ssyncadd.remote.s32 $0x1  }
0xcc: {  	_ =	sfence.sel $0xFFFF  }
0xcd: {  	[dreg:$0x0] =	wrdreg $0xFFFFFFFF;
	(pc) =	sbr.abs _section_cstart, $3  }
0xce: {  	[dreg:$0x1] =	wrdreg $0xFFFFFFFF  }
0xcf: {  	_ =	task.clear_ibuf [dreg:s12], $0x2FFFF;
	_ =	strace $0x9FFFFFFF  }
0xd0: {  	(tm) =	ssettm $0x7FFFFFFF  }
0xd1: {  	_ =	shalt  }
tec
execute0_lowered:
.L_overlay_start_1:
0x0: {  	(tag) =	ssettag $0x1  }
0x1: {  	s0 =	rddreg [dreg:$0x0]  }
0x2: {  	s1 =	srdreg.scid;
	s2 =	rddreg [dreg:$0x3]  }
0x3: {  	s3 =	stileid.u32;
	s6 =	rddreg [dreg:$0x4]  }
0x4: {  	s8 =	rddreg [dreg:$0x5];
	s4 =	simm.s32 $0x0;
	s11 =	simm.s32 $0x100  }
0x5: {  	s12 =	simm.s32 $0x200;
	s13 =	simm.s32 $0x1;
	s14 =	simm.s32 $0x50  }
0x6: {  	s17 =	simm.s32 $0x2;
	s21 =	simm.s32 $0x3;
	s22 =	simm.s32 $0x4  }
0x7: {  	s23 =	simm.s32 $0x6;
	s1 =	sand.u32 $0x1, s1;
	s3 =	sshll.u32 s3, $0x1  }
0x8: {  	s24 =	simm.s32 $0x5;
	s25 =	simm.s32 $0x7;
	s3 =	sor.u32 s1, s3  }
0x9: {  	s28 =	simm.s32 $0x8;
	s29 =	simm.s32 $0x9;
	s3 =	smul.u32 $0xA0, s3  }
0xa: {  	s30 =	simm.s32 $0x0;
	[smem:$0x7FF] =	sst s4;
	s1 =	ssub.s32 $0x2, s1  }
0xb: {  	_ =	strace $0x80000047;
	s5 =	sshrl.u32 s1, $0x1;
	s3 =	smin.u32 s3, $0x12E8  }
0xc: {  	s1 =	ssub.s32 s1, s5;
	s7 =	sshrl.u32 s3, $0x3;
	s31 =	sshll.u32 s3, $0x4  }
0xd: {  	s10 =	smax.u32 s1, $0x1;
	s5 =	sadd.s32 s2, s7;
	s8 =	sadd.s32 s8, s31  }
0xe: {  	s6 =	sadd.s32 s6, s7;
	s7 =	sadd.s32 s0, s31;
	s9 =	sadd.s32 $0x500, s8  }
.LBB2_1:
0xf: {  	[tilespmem:s4], [sflag:$0x1] =	stream.linear.gather [hbm4b:s5+s4], $0xA0, $0x38;
	[tilespmem:$0xF200] =	vst v63  }
0x10: {  	_ = 	snop  }
0x11: {  	[tilespmem:s11], [sflag:$0x2] =	stream.linear.gather [hbm4b:s6+s4], $0xA0, $0x38;
	[tilespmem:$0xF200] =	vst v63  }
0x12: {  	_ = 	snop  }
0x13: {  	[tilespmem:s12], [sflag:$0x3] =	stream.linear.gather [hbm4b:s7+s4], $0x5000, $0x38;
	[tilespmem:$0xF200] =	vst v63  }
0x14: {  	_ =	swait.ge [sflag:s13], $0xA0  }
0x15: {  	[sflag:s13] =	ssyncset.done $0x0  }
0x16: {  	[sflag:s13] =	ssyncadd.s32 $0xFFFFFF60  }
0x17: {  	s1 =	simm.s32 $0x5200;
	s0 =	rddreg [dreg:$0x1]  }
0x18: {  	[tilespmem:s1], [sflag:$0x4] =	stream.indirect.gather [hbm4b:s0+s14], $0x80, s4, s14, $0xb8;
	[tilespmem:$0xF200] =	vst v63  }
0x19: {  	s18 =	simm.s32 $0x7A00  }
0x1a: {  	[tilespmem:s18], [sflag:$0x5] =	stream.indirect.gather [hbm4b:s0+s14], $0x80, s14, s14, $0xb8;
	[tilespmem:$0xF200] =	vst v63  }
0x1b: {  	_ =	swait.ge [sflag:s17], $0xA0  }
0x1c: {  	[sflag:s17] =	ssyncset.done $0x0  }
0x1d: {  	[sflag:s17] =	ssyncadd.s32 $0xFFFFFF60  }
0x1e: {  	s20 =	simm.s32 $0xA200;
	s19 =	rddreg [dreg:$0x2]  }
0x1f: {  	[tilespmem:s20], [sflag:$0x6] =	stream.indirect.gather [hbm4b:s19+s14], $0x80, s11, s14, $0xb8;
	[tilespmem:$0xF200] =	vst v63  }
0x20: {  	s26 =	simm.s32 $0x150;
	s2 =	simm.s32 $0xCA00  }
0x21: {  	[tilespmem:s2], [sflag:$0x7] =	stream.indirect.gather [hbm4b:s19+s14], $0x80, s26, s14, $0xb8;
	[tilespmem:$0xF200] =	vst v63  }
0x22: {  	_ =	swait.ge [sflag:s21], $0x5000  }
0x23: {  	[sflag:s21] =	ssyncset.done $0x0  }
0x24: {  	[sflag:s21] =	ssyncadd.s32 $0xFFFFB000  }
0x25: {  	_ =	swait.ge [sflag:s22], $0x2800  }
0x26: {  	[sflag:s22] =	ssyncset.done $0x0  }
0x27: {  	[sflag:s22] =	ssyncadd.s32 $0xFFFFD800  }
0x28: {  	_ =	swait.ge [sflag:s23], $0x2800  }
0x29: {  	[sflag:s23] =	ssyncset.done $0x0  }
0x2a: {  	s31 =	simm.s32 $0x280;
	[sflag:s23] =	ssyncadd.s32 $0xFFFFD800  }
0x2b: {  	s26 =	simm.s32 $0x5280;
	v0 =	vld [tilespmem:s31+$0x0]  }
0x2c: {  	v1 =	vld [tilespmem:s26+$0x0]  }
0x2d: {  	s20 =	simm.s32 $0xA280  }
0x2e: {  	v2 =	vld [tilespmem:s20+$0x0];
	_ =	sdelay $0x2  }
0x2f: {  	v0 =	vadd.f32 v1, v0;
	_ =	sdelay $0x1  }
0x30: {  	v0 =	vadd.f32 v2, v0  }
0x31: {  	v1 =	vld [tilespmem:s26+$0xFFFFFF80]  }
0x32: {  	v2 =	vld [tilespmem:s31+$0xFFFFFF80];
	v0 =	vmul.f32 $2.500000000e-01, v0  }
0x33: {  	v3 =	vld [tilespmem:s20+$0xFFFFFF80]  }
0x34: {  	[tilespmem:s31+$0x0] =	vst v0;
	v0 =	vld [tilespmem:s31+$0x10]  }
0x35: {  	v4 =	vld [tilespmem:s26+$0x10];
	_ =	sdelay $0x1  }
0x36: {  	v5 =	vld [tilespmem:s20+$0x10];
	v1 =	vadd.f32 v1, v2;
	_ =	sdelay $0x1  }
0x37: {  	v1 =	vadd.f32 v3, v1  }
0x38: {  	v0 =	vadd.f32 v4, v0  }
0x39: {  	v1 =	vmul.f32 $2.500000000e-01, v1  }
0x3a: {  	v0 =	vadd.f32 v5, v0  }
0x3b: {  	v2 =	vld [tilespmem:s31+$0xFFFFFF90];
	[tilespmem:s31+$0xFFFFFF80] =	vst v1  }
0x3c: {  	v1 =	vld [tilespmem:s26+$0xFFFFFF90];
	v0 =	vmul.f32 $2.500000000e-01, v0  }
0x3d: {  	v5 =	vld [tilespmem:s20+$0xFFFFFF90]  }
0x3e: {  	[tilespmem:s31+$0x10] =	vst v0;
	v0 =	vld [tilespmem:s31+$0x20]  }
0x3f: {  	v6 =	vld [tilespmem:s26+$0x20];
	_ =	sdelay $0x1  }
0x40: {  	v7 =	vld [tilespmem:s20+$0x20];
	v1 =	vadd.f32 v1, v2;
	_ =	sdelay $0x1  }
0x41: {  	v1 =	vadd.f32 v5, v1  }
0x42: {  	v0 =	vadd.f32 v6, v0  }
0x43: {  	s3 =	simm.s32 $0x380;
	v1 =	vmul.f32 $2.500000000e-01, v1  }
0x44: {  	v8 =	vld [tilespmem:s3+$0x0];
	v0 =	vadd.f32 v7, v0  }
0x45: {  	v3 =	vld [tilespmem:s31+$0xFFFFFFA0];
	[tilespmem:s31+$0xFFFFFF90] =	vst v1  }
0x46: {  	v1 =	vld [tilespmem:s26+$0xFFFFFFA0];
	v0 =	vmul.f32 $2.500000000e-01, v0  }
0x47: {  	v9 =	vld [tilespmem:s31+$0x40]  }
0x48: {  	[tilespmem:s31+$0x20] =	vst v0;
	v0 =	vld [tilespmem:s31+$0x30]  }
0x49: {  	s15 =	simm.s32 $0x5380;
	v5 =	vld [tilespmem:s26+$0x30]  }
0x4a: {  	v11 =	vld [tilespmem:s15+$0xFFFFFF80]  }
0x4b: {  	v1 =	vadd.f32 v1, v3;
	v3 =	vld [tilespmem:s20+$0x30]  }
0x4c: {  	s0 =	simm.s32 $0xA380;
	v12 =	vld [tilespmem:s3+$0xFFFFFF80]  }
0x4d: {  	v13 =	vld [tilespmem:s0+$0xFFFFFF80]  }
0x4e: {  	v2 =	vld [tilespmem:s20+$0xFFFFFFA0];
	v0 =	vadd.f32 v5, v0  }
0x4f: {  	v5 =	vld [tilespmem:s15+$0x0]  }
0x50: {  	v14 =	vld [tilespmem:s3+$0xFFFFFFC0];
	v0 =	vadd.f32 v3, v0  }
0x51: {  	v3 =	vld [tilespmem:s0+$0x0]  }
0x52: {  	s19 =	simm.s32 $0xA480;
	v15 =	vld [tilespmem:s31+$0x60];
	v0 =	vmul.f32 $2.500000000e-01, v0  }
0x53: {  	s16 =	simm.s32 $0x480;
	v16 =	vld [tilespmem:s19+$0x0];
	v1 =	vadd.f32 v2, v1  }
0x54: {  	v19 =	vld [tilespmem:s16+$0xFFFFFF80];
	v5 =	vadd.f32 v5, v8;
	[tilespmem:s31+$0x30] =	vst v0  }
0x55: {  	v1 =	vmul.f32 $2.500000000e-01, v1;
	v0 =	vld [tilespmem:s26+$0x40]  }
0x56: {  	v4 =	vld [tilespmem:s31+$0xFFFFFFB0];
	v3 =	vadd.f32 v3, v5  }
0x57: {  	[tilespmem:s31+$0xFFFFFFA0] =	vst v1;
	v10 =	vld [tilespmem:s20+$0x40]  }
0x58: {  	v1 =	vld [tilespmem:s26+$0xFFFFFFB0];
	v3 =	vmul.f32 $2.500000000e-01, v3  }
0x59: {  	v8 =	vld [tilespmem:s20+$0xFFFFFFB0]  }
0x5a: {  	[tilespmem:s3+$0x0] =	vst v3;
	v3 =	vld [tilespmem:s3+$0x10];
	v0 =	vadd.f32 v0, v9  }
0x5b: {  	v9 =	vld [tilespmem:s15+$0x10]  }
0x5c: {  	v53 =	vld [tilespmem:s16+$0xFFFFFF90];
	v0 =	vadd.f32 v10, v0;
	v10 =	vadd.f32 v11, v12  }
0x5d: {  	v11 =	vld [tilespmem:s0+$0x10]  }
0x5e: {  	v20 =	vld [tilespmem:s3+$0x50];
	v1 =	vadd.f32 v1, v4;
	v0 =	vmul.f32 $2.500000000e-01, v0;
	v10 =	vadd.f32 v13, v10  }
0x5f: {  	v4 =	vld [tilespmem:s3+$0xFFFFFF90]  }
0x60: {  	v1 =	vadd.f32 v8, v1;
	v8 =	vld [tilespmem:s31+$0x50];
	v3 =	vadd.f32 v9, v3;
	[tilespmem:s31+$0x40] =	vst v0;
	v0 =	vmul.f32 $2.500000000e-01, v10  }
0x61: {  	v10 =	vld [tilespmem:s26+$0x50]  }
0x62: {  	v1 =	vmul.f32 $2.500000000e-01, v1;
	v3 =	vadd.f32 v11, v3;
	v11 =	vld [tilespmem:s20+$0x50];
	[tilespmem:s3+$0xFFFFFF80] =	vst v0  }
0x63: {  	v0 =	vld [tilespmem:s15+$0xFFFFFF90]  }
0x64: {  	v54 =	vld [tilespmem:s16+$0xFFFFFFB0];
	[tilespmem:s31+$0xFFFFFFB0] =	vst v1;
	v1 =	vmul.f32 $2.500000000e-01, v3  }
0x65: {  	v3 =	vld [tilespmem:s0+$0xFFFFFF90]  }
0x66: {  	v6 =	vld [tilespmem:s31+$0xFFFFFFC0];
	[tilespmem:s3+$0x10] =	vst v1;
	v1 =	vadd.f32 v10, v8  }
0x67: {  	v8 =	vld [tilespmem:s3+$0x20]  }
0x68: {  	v10 =	vld [tilespmem:s15+$0x20];
	v1 =	vadd.f32 v11, v1;
	v0 =	vadd.f32 v0, v4  }
0x69: {  	v13 =	vld [tilespmem:s26+$0xFFFFFFC0]  }
0x6a: {  	v4 =	vld [tilespmem:s0+$0x20];
	v1 =	vmul.f32 $2.500000000e-01, v1;
	v0 =	vadd.f32 v3, v0  }
0x6b: {  	v12 =	vld [tilespmem:s3+$0xFFFFFFA0]  }
0x6c: {  	v11 =	vld [tilespmem:s20+$0xFFFFFFC0];
	[tilespmem:s31+$0x50] =	vst v1;
	v0 =	vmul.f32 $2.500000000e-01, v0  }
0x6d: {  	v1 =	vadd.f32 v10, v8;
	v8 =	vld [tilespmem:s26+$0x60]  }
0x6e: {  	v10 =	vld [tilespmem:s20+$0x60];
	[tilespmem:s3+$0xFFFFFF90] =	vst v0  }
0x6f: {  	v6 =	vadd.f32 v13, v6;
	v0 =	vadd.f32 v4, v1;
	v4 =	vld [tilespmem:s15+$0xFFFFFFA0]  }
0x70: {  	v57 =	vld [tilespmem:s3+$0x60]  }
0x71: {  	v1 =	vadd.f32 v11, v6;
	v6 =	vld [tilespmem:s0+$0xFFFFFFA0];
	v0 =	vmul.f32 $2.500000000e-01, v0  }
0x72: {  	v7 =	vld [tilespmem:s31+$0xFFFFFFD0];
	v8 =	vadd.f32 v8, v15  }
0x73: {  	[tilespmem:s3+$0x20] =	vst v0;
	v0 =	vld [tilespmem:s3+$0x30]  }
0x74: {  	v8 =	vadd.f32 v10, v8;
	v4 =	vadd.f32 v4, v12;
	v10 =	vld [tilespmem:s15+$0x30]  }
0x75: {  	v2 =	vld [tilespmem:s31+$0xFFFFFFE0];
	v11 =	vmul.f32 $2.500000000e-01, v1  }
0x76: {  	v4 =	vadd.f32 v6, v4;
	v6 =	vld [tilespmem:s0+$0x30]  }
0x77: {  	v5 =	vld [tilespmem:s31+$0xFFFFFFF0];
	[tilespmem:s31+$0xFFFFFFC0] =	vst v11  }
0x78: {  	v11 =	vld [tilespmem:s26+$0xFFFFFFD0]  }
0x79: {  	v9 =	vld [tilespmem:s3+$0xFFFFFFB0];
	v4 =	vmul.f32 $2.500000000e-01, v4;
	v10 =	vadd.f32 v10, v0  }
0x7a: {  	v13 =	vld [tilespmem:s20+$0xFFFFFFD0]  }
0x7b: {  	v3 =	vld [tilespmem:s3+$0xFFFFFFD0];
	[tilespmem:s3+$0xFFFFFFA0] =	vst v4;
	v4 =	vadd.f32 v6, v10  }
0x7c: {  	v1 =	vld [tilespmem:s3+$0xFFFFFFE0]  }
0x7d: {  	v12 =	vld [tilespmem:s31+$0x70];
	v7 =	vadd.f32 v11, v7;
	v4 =	vmul.f32 $2.500000000e-01, v4  }
0x7e: {  	s18 =	simm.s32 $0x5480;
	v11 =	vld [tilespmem:s16+$0x0]  }
0x7f: {  	v8 =	vmul.f32 $2.500000000e-01, v8;
	v7 =	vadd.f32 v13, v7;
	[tilespmem:s3+$0x30] =	vst v4;
	v4 =	vld [tilespmem:s18+$0x0]  }
0x80: {  	v10 =	vld [tilespmem:s3+$0x40]  }
0x81: {  	[tilespmem:s31+$0x60] =	vst v8;
	v7 =	vmul.f32 $2.500000000e-01, v7;
	v13 =	vld [tilespmem:s15+$0x40]  }
0x82: {  	v8 =	vld [tilespmem:s26+$0x70]  }
0x83: {  	[tilespmem:s31+$0xFFFFFFD0] =	vst v7;
	v7 =	vld [tilespmem:s0+$0x40]  }
0x84: {  	v15 =	vld [tilespmem:s20+$0x70];
	v4 =	vadd.f32 v4, v11  }
0x85: {  	v11 =	vld [tilespmem:s18+$0xFFFFFF80]  }
0x86: {  	v6 =	vld [tilespmem:s15+$0xFFFFFFB0];
	v10 =	vadd.f32 v13, v10;
	v4 =	vadd.f32 v16, v4  }
0x87: {  	v13 =	vld [tilespmem:s19+$0xFFFFFF80]  }
0x88: {  	v17 =	vld [tilespmem:s0+$0xFFFFFFB0];
	v7 =	vadd.f32 v7, v10;
	v4 =	vmul.f32 $2.500000000e-01, v4  }
0x89: {  	v0 =	vld [tilespmem:s3+$0xFFFFFFF0]  }
0x8a: {  	v18 =	vld [tilespmem:s26+$0xFFFFFFE0];
	v7 =	vmul.f32 $2.500000000e-01, v7;
	[tilespmem:s16+$0x0] =	vst v4;
	v4 =	vadd.f32 v11, v19  }
0x8b: {  	v6 =	vadd.f32 v6, v9;
	v11 =	vld [tilespmem:s16+$0x10]  }
0x8c: {  	v9 =	vld [tilespmem:s18+$0x10];
	[tilespmem:s3+$0x40] =	vst v7;
	v4 =	vadd.f32 v13, v4  }
0x8d: {  	v6 =	vadd.f32 v17, v6;
	v7 =	vld [tilespmem:s15+$0x50]  }
0x8e: {  	v13 =	vld [tilespmem:s19+$0x10];
	v4 =	vmul.f32 $2.500000000e-01, v4  }
0x8f: {  	v21 =	vld [tilespmem:s20+$0xFFFFFFE0];
	v6 =	vmul.f32 $2.500000000e-01, v6  }
0x90: {  	v55 =	vld [tilespmem:s0+$0x50];
	[tilespmem:s16+$0xFFFFFF80] =	vst v4  }
0x91: {  	[tilespmem:s3+$0xFFFFFFB0] =	vst v6;
	v4 =	vadd.f32 v9, v11;
	v6 =	vld [tilespmem:s18+$0xFFFFFF90]  }
0x92: {  	v18 =	vadd.f32 v18, v2;
	v2 =	vld [tilespmem:s16+$0xFFFFFFD0]  }
0x93: {  	v7 =	vadd.f32 v7, v20;
	v11 =	vadd.f32 v13, v4;
	v13 =	vld [tilespmem:s19+$0xFFFFFF90]  }
0x94: {  	v9 =	vld [tilespmem:s15+$0xFFFFFFC0]  }
0x95: {  	v10 =	vld [tilespmem:s16+$0xFFFFFFA0];
	v7 =	vadd.f32 v55, v7;
	v11 =	vmul.f32 $2.500000000e-01, v11  }
0x96: {  	v56 =	vld [tilespmem:s0+$0xFFFFFFC0];
	v6 =	vadd.f32 v6, v53  }
0x97: {  	v7 =	vmul.f32 $2.500000000e-01, v7;
	[tilespmem:s16+$0x10] =	vst v11;
	v11 =	vld [tilespmem:s16+$0x20]  }
0x98: {  	v6 =	vadd.f32 v13, v6;
	v13 =	vld [tilespmem:s18+$0x20]  }
0x99: {  	[tilespmem:s3+$0x50] =	vst v7;
	v7 =	vadd.f32 v9, v14;
	v14 =	vld [tilespmem:s19+$0x20]  }
0x9a: {  	v9 =	vld [tilespmem:s15+$0x60];
	v6 =	vmul.f32 $2.500000000e-01, v6  }
0x9b: {  	v4 =	vld [tilespmem:s16+$0xFFFFFFC0];
	v7 =	vadd.f32 v56, v7  }
0x9c: {  	v58 =	vld [tilespmem:s0+$0x60];
	[tilespmem:s16+$0xFFFFFF90] =	vst v6  }
0x9d: {  	v18 =	vadd.f32 v21, v18;
	v7 =	vmul.f32 $2.500000000e-01, v7;
	v59 =	vld [tilespmem:s18+$0xFFFFFFA0];
	v11 =	vadd.f32 v13, v11  }
0x9e: {  	v6 =	vld [tilespmem:s16+$0xFFFFFFE0]  }
0x9f: {  	[tilespmem:s3+$0xFFFFFFC0] =	vst v7;
	v7 =	vmul.f32 $2.500000000e-01, v18;
	v9 =	vadd.f32 v9, v57;
	v13 =	vld [tilespmem:s19+$0xFFFFFFA0];
	v11 =	vadd.f32 v14, v11  }
0xa0: {  	v14 =	vld [tilespmem:s15+$0xFFFFFFD0]  }
0xa1: {  	[tilespmem:s31+$0xFFFFFFE0] =	vst v7;
	v7 =	vadd.f32 v58, v9;
	v9 =	vld [tilespmem:s0+$0xFFFFFFD0];
	v11 =	vmul.f32 $2.500000000e-01, v11  }
0xa2: {  	v60 =	vld [tilespmem:s26+$0xFFFFFFF0];
	v10 =	vadd.f32 v59, v10  }
0xa3: {  	v7 =	vmul.f32 $2.500000000e-01, v7;
	[tilespmem:s16+$0x20] =	vst v11;
	v11 =	vld [tilespmem:s3+$0x70]  }
0xa4: {  	v10 =	vadd.f32 v13, v10;
	v13 =	vld [tilespmem:s16+$0x30]  }
0xa5: {  	[tilespmem:s3+$0x60] =	vst v7;
	v3 =	vadd.f32 v14, v3;
	v14 =	vld [tilespmem:s18+$0x30]  }
0xa6: {  	v7 =	vld [tilespmem:s15+$0x70]  }
0xa7: {  	v61 =	vld [tilespmem:s19+$0x30];
	v10 =	vmul.f32 $2.500000000e-01, v10;
	v9 =	vadd.f32 v9, v3  }
0xa8: {  	v8 =	vadd.f32 v8, v12;
	v62 =	vld [tilespmem:s0+$0x70]  }
0xa9: {  	v3 =	vld [tilespmem:s16+$0xFFFFFFF0];
	[tilespmem:s16+$0xFFFFFFA0] =	vst v10;
	v9 =	vmul.f32 $2.500000000e-01, v9  }
0xaa: {  	v8 =	vadd.f32 v15, v8;
	v15 =	vld [tilespmem:s18+$0xFFFFFFB0];
	v13 =	vadd.f32 v14, v13  }
0xab: {  	v12 =	vld [tilespmem:s19+$0xFFFFFFB0];
	v7 =	vadd.f32 v7, v11;
	[tilespmem:s3+$0xFFFFFFD0] =	vst v9  }
0xac: {  	v10 =	vld [tilespmem:s15+$0xFFFFFFE0];
	v11 =	vadd.f32 v61, v13  }
0xad: {  	v9 =	vmul.f32 $2.500000000e-01, v8;
	v8 =	vld [tilespmem:s0+$0xFFFFFFE0];
	v63 =	vadd.f32 v62, v7  }
0xae: {  	s1 =	simm.s32 $0x4;
	v7 =	vld [tilespmem:s20+$0xFFFFFFF0];
	v13 =	vmul.f32 $2.500000000e-01, v11  }
0xaf: {  	s2 =	simm.s32 $0x580;
	s26 =	simm.s32 $0x5480;
	v5 =	vadd.f32 v60, v5;
	s20 =	simm.s32 $0xA480;
	[tilespmem:s31+$0x70] =	vst v9;
	v11 =	vld [tilespmem:s16+$0x40];
	v9 =	vmul.f32 $2.500000000e-01, v63;
	v14 =	vadd.f32 v15, v54  }
.LBB2_2:
0xb0: {  	v15 =	vld [tilespmem:s2+$0x0];
	[tilespmem:s16+$0x30] =	vst v13;
	s18 =	sadd.s32 $0x100, s18  }
0xb1: {  	v13 =	vld [tilespmem:s18+$0x0];
	v12 =	vadd.f32 v12, v14;
	v10 =	vadd.f32 v10, v1;
	[tilespmem:s3+$0x70] =	vst v9;
	v1 =	vmov v6  }
0xb2: {  	s1 =	sadd.s32 $0x2, s1;
	s19 =	sadd.s32 $0x100, s19;
	v6 =	vld [tilespmem:s26+$0x40]  }
0xb3: {  	p0 =	slt.u32 s1, $0x4E;
	v9 =	vld [tilespmem:s19+$0x0];
	v12 =	vmul.f32 $2.500000000e-01, v12;
	v8 =	vadd.f32 v8, v10;
	v5 =	vadd.f32 v7, v5  }
0xb4: {  	v7 =	vld [tilespmem:s20+$0x40]  }
0xb5: {  	v10 =	vld [tilespmem:s18+$0xFFFFFF80];
	[tilespmem:s16+$0xFFFFFFB0] =	vst v12;
	v8 =	vmul.f32 $2.500000000e-01, v8;
	v5 =	vmul.f32 $2.500000000e-01, v5  }
0xb6: {  	v12 =	vld [tilespmem:s2+$0xFFFFFF80];
	v13 =	vadd.f32 v13, v15  }
0xb7: {  	v14 =	vld [tilespmem:s19+$0xFFFFFF80];
	v6 =	vadd.f32 v6, v11;
	[tilespmem:s3+$0xFFFFFFE0] =	vst v8  }
0xb8: {  	v8 =	vld [tilespmem:s2+$0xFFFFFF90];
	v9 =	vadd.f32 v9, v13;
	[tilespmem:s31+$0xFFFFFFF0] =	vst v5;
	s31 =	smov.u32 s3;
	s3 =	smov.u32 s16;
	s16 =	smov.u32 s2  }
0xb9: {  	v5 =	vld [tilespmem:s2+$0xFFFFFFA0];
	v6 =	vadd.f32 v7, v6  }
0xba: {  	v11 =	vld [tilespmem:s2+$0xFFFFFFB0];
	v7 =	vmul.f32 $2.500000000e-01, v9  }
0xbb: {  	v9 =	vadd.f32 v10, v12;
	v6 =	vmul.f32 $2.500000000e-01, v6;
	v10 =	vld [tilespmem:s3+$0x50]  }
0xbc: {  	[tilespmem:s2+$0x0] =	vst v7;
	v7 =	vld [tilespmem:s2+$0x10]  }
0xbd: {  	v9 =	vadd.f32 v14, v9;
	v12 =	vld [tilespmem:s18+$0x10];
	[tilespmem:s3+$0x40] =	vst v6  }
0xbe: {  	v6 =	vld [tilespmem:s26+$0x50]  }
0xbf: {  	v9 =	vmul.f32 $2.500000000e-01, v9;
	v13 =	vld [tilespmem:s19+$0x10]  }
0xc0: {  	v14 =	vld [tilespmem:s20+$0x50]  }
0xc1: {  	[tilespmem:s2+$0xFFFFFF80] =	vst v9;
	v9 =	vld [tilespmem:s26+$0xFFFFFFC0]  }
0xc2: {  	v15 =	vld [tilespmem:s18+$0xFFFFFF90];
	v7 =	vadd.f32 v12, v7  }
0xc3: {  	v12 =	vld [tilespmem:s19+$0xFFFFFF90];
	v6 =	vadd.f32 v6, v10  }
0xc4: {  	v10 =	vld [tilespmem:s2+$0xFFFFFFC0];
	v7 =	vadd.f32 v13, v7  }
0xc5: {  	v13 =	vld [tilespmem:s20+$0xFFFFFFC0];
	v6 =	vadd.f32 v14, v6  }
0xc6: {  	v14 =	vld [tilespmem:s2+$0xFFFFFFD0];
	v7 =	vmul.f32 $2.500000000e-01, v7;
	v9 =	vadd.f32 v9, v4  }
0xc7: {  	v16 =	vadd.f32 v15, v8;
	v6 =	vmul.f32 $2.500000000e-01, v6;
	v8 =	vld [tilespmem:s3+$0x60]  }
0xc8: {  	[tilespmem:s2+$0x10] =	vst v7;
	v7 =	vld [tilespmem:s2+$0x20]  }
0xc9: {  	v12 =	vadd.f32 v12, v16;
	v15 =	vld [tilespmem:s18+$0x20];
	[tilespmem:s3+$0x50] =	vst v6;
	v4 =	vmov v10  }
0xca: {  	v6 =	vadd.f32 v13, v9;
	v9 =	vld [tilespmem:s26+$0x60]  }
0xcb: {  	v10 =	vmul.f32 $2.500000000e-01, v12;
	v12 =	vld [tilespmem:s19+$0x20]  }
0xcc: {  	v13 =	vmul.f32 $2.500000000e-01, v6;
	v16 =	vld [tilespmem:s20+$0x60]  }
0xcd: {  	[tilespmem:s2+$0xFFFFFF90] =	vst v10;
	v6 =	vld [tilespmem:s2+$0xFFFFFFE0]  }
0xce: {  	v10 =	vld [tilespmem:s18+$0xFFFFFFA0];
	v7 =	vadd.f32 v15, v7;
	[tilespmem:s3+$0xFFFFFFC0] =	vst v13  }
0xcf: {  	v13 =	vld [tilespmem:s19+$0xFFFFFFA0];
	v8 =	vadd.f32 v9, v8  }
0xd0: {  	v7 =	vadd.f32 v12, v7;
	v9 =	vld [tilespmem:s26+$0xFFFFFFD0]  }
0xd1: {  	v12 =	vld [tilespmem:s20+$0xFFFFFFD0];
	v8 =	vadd.f32 v16, v8  }
0xd2: {  	v7 =	vmul.f32 $2.500000000e-01, v7;
	v15 =	vld [tilespmem:s15+$0xFFFFFFF0];
	s15 =	smov.u32 s26;
	s26 =	smov.u32 s18  }
0xd3: {  	v5 =	vadd.f32 v10, v5;
	v8 =	vmul.f32 $2.500000000e-01, v8;
	v10 =	vld [tilespmem:s3+$0x70]  }
0xd4: {  	[tilespmem:s2+$0x20] =	vst v7;
	v7 =	vld [tilespmem:s2+$0x30]  }
0xd5: {  	v5 =	vadd.f32 v13, v5;
	v13 =	vld [tilespmem:s18+$0x30];
	v9 =	vadd.f32 v9, v2;
	[tilespmem:s3+$0x60] =	vst v8;
	v2 =	vmov v14  }
0xd6: {  	v8 =	vld [tilespmem:s15+$0x70]  }
0xd7: {  	v14 =	vmul.f32 $2.500000000e-01, v5;
	v16 =	vld [tilespmem:s19+$0x30];
	v9 =	vadd.f32 v12, v9;
	v5 =	vadd.f32 v15, v0;
	v0 =	vmovc v3  }
0xd8: {  	v15 =	vld [tilespmem:s20+$0x70]  }
0xd9: {  	[tilespmem:s2+$0xFFFFFFA0] =	vst v14;
	v3 =	vld [tilespmem:s2+$0xFFFFFFF0];
	v9 =	vmul.f32 $2.500000000e-01, v9  }
0xda: {  	v14 =	vld [tilespmem:s18+$0xFFFFFFB0];
	v7 =	vadd.f32 v13, v7  }
.Ltmp0:
0xdb: {  	v12 =	vld [tilespmem:s19+$0xFFFFFFB0];
	[tilespmem:s3+$0xFFFFFFD0] =	vst v9;
	v9 =	vadd.f32 v8, v10;
	(pc) =	sbr.rel @p0 .LBB2_2-.Ltmp0, $4  }
0xdc: {  	v7 =	vadd.f32 v16, v7;
	v10 =	vld [tilespmem:s15+$0xFFFFFFE0]  }
0xdd: {  	v8 =	vld [tilespmem:s20+$0xFFFFFFE0];
	v9 =	vadd.f32 v15, v9  }
0xde: {  	v13 =	vmul.f32 $2.500000000e-01, v7;
	v7 =	vld [tilespmem:s0+$0xFFFFFFF0];
	s0 =	smov.u32 s20;
	s20 =	smov.u32 s19  }
0xdf: {  	s2 =	sadd.s32 $0x100, s2;
	v14 =	vadd.f32 v14, v11;
	v11 =	vld [tilespmem:s16+$0x40];
	v9 =	vmul.f32 $2.500000000e-01, v9  }
0xe0: {  	_ = 	snop  }
0xe1: {  	v12 =	vadd.f32 v12, v14;
	_ =	sdelay $0x1  }
0xe2: {  	[tilespmem:s16+$0x30] =	vst v13;
	v12 =	vmul.f32 $2.500000000e-01, v12  }
0xe3: {  	v13 =	vld [tilespmem:s26+$0x40]  }
0xe4: {  	v14 =	vld [tilespmem:s20+$0x40];
	[tilespmem:s16+$0xFFFFFFB0] =	vst v12  }
0xe5: {  	v12 =	vld [tilespmem:s26+$0xFFFFFFC0];
	_ =	sdelay $0x1  }
0xe6: {  	v15 =	vld [tilespmem:s20+$0xFFFFFFC0]  }
0xe7: {  	v11 =	vadd.f32 v13, v11;
	_ =	sdelay $0x1  }
0xe8: {  	v11 =	vadd.f32 v14, v11;
	v4 =	vadd.f32 v12, v4;
	_ =	sdelay $0x1  }
0xe9: {  	v11 =	vmul.f32 $2.500000000e-01, v11;
	v4 =	vadd.f32 v15, v4;
	_ =	sdelay $0x1  }
0xea: {  	v12 =	vld [tilespmem:s16+$0x50];
	[tilespmem:s16+$0x40] =	vst v11;
	v4 =	vmul.f32 $2.500000000e-01, v4  }
0xeb: {  	v11 =	vld [tilespmem:s26+$0x50]  }
0xec: {  	v13 =	vld [tilespmem:s20+$0x50];
	[tilespmem:s16+$0xFFFFFFC0] =	vst v4  }
0xed: {  	v4 =	vld [tilespmem:s26+$0xFFFFFFD0];
	_ =	sdelay $0x1  }
0xee: {  	v14 =	vld [tilespmem:s20+$0xFFFFFFD0]  }
0xef: {  	v11 =	vadd.f32 v11, v12;
	_ =	sdelay $0x1  }
0xf0: {  	v11 =	vadd.f32 v13, v11;
	v2 =	vadd.f32 v4, v2;
	_ =	sdelay $0x1  }
0xf1: {  	v4 =	vmul.f32 $2.500000000e-01, v11;
	v2 =	vadd.f32 v14, v2;
	_ =	sdelay $0x1  }
0xf2: {  	v11 =	vld [tilespmem:s16+$0x60];
	[tilespmem:s16+$0x50] =	vst v4;
	v2 =	vmul.f32 $2.500000000e-01, v2  }
0xf3: {  	v4 =	vld [tilespmem:s26+$0x60]  }
0xf4: {  	v12 =	vld [tilespmem:s20+$0x60];
	[tilespmem:s16+$0xFFFFFFD0] =	vst v2  }
0xf5: {  	v2 =	vld [tilespmem:s26+$0xFFFFFFE0]  }
0xf6: {  	v1 =	vadd.f32 v10, v1  }
0xf7: {  	v10 =	vld [tilespmem:s20+$0xFFFFFFE0]  }
0xf8: {  	v1 =	vadd.f32 v8, v1;
	v4 =	vadd.f32 v4, v11;
	_ =	sdelay $0x1  }
0xf9: {  	v1 =	vmul.f32 $2.500000000e-01, v1;
	v4 =	vadd.f32 v12, v4;
	v2 =	vadd.f32 v2, v6;
	_ =	sdelay $0x1  }
0xfa: {  	[tilespmem:s3+$0xFFFFFFE0] =	vst v1;
	v1 =	vld [tilespmem:s16+$0x70];
	v4 =	vmul.f32 $2.500000000e-01, v4;
	v2 =	vadd.f32 v10, v2  }
0xfb: {  	v6 =	vld [tilespmem:s15+$0xFFFFFFF0]  }
0xfc: {  	[tilespmem:s16+$0x60] =	vst v4;
	v10 =	vld [tilespmem:s0+$0xFFFFFFF0];
	v2 =	vmul.f32 $2.500000000e-01, v2  }
0xfd: {  	v4 =	vld [tilespmem:s26+$0x70]  }
0xfe: {  	v8 =	vld [tilespmem:s20+$0x70];
	[tilespmem:s16+$0xFFFFFFE0] =	vst v2  }
0xff: {  	v2 =	vld [tilespmem:s26+$0xFFFFFFF0];
	_ =	sdelay $0x1  }
0x100: {  	v0 =	vadd.f32 v6, v0;
	v11 =	vld [tilespmem:s20+$0xFFFFFFF0]  }
0x101: {  	v1 =	vadd.f32 v4, v1  }
0x102: {  	v0 =	vadd.f32 v10, v0  }
0x103: {  	v1 =	vadd.f32 v8, v1;
	v2 =	vadd.f32 v2, v3  }
0x104: {  	v4 =	vadd.f32 v7, v5;
	v0 =	vmul.f32 $2.500000000e-01, v0  }
0x105: {  	[tilespmem:s3+$0x70] =	vst v9;
	v1 =	vmul.f32 $2.500000000e-01, v1;
	v2 =	vadd.f32 v11, v2  }
0x106: {  	[tilespmem:s3+$0xFFFFFFF0] =	vst v0;
	v3 =	vmul.f32 $2.500000000e-01, v4  }
0x107: {  	[tilespmem:s16+$0x70] =	vst v1;
	v1 =	vmul.f32 $2.500000000e-01, v2  }
0x108: {  	[tilespmem:s31+$0xFFFFFFF0] =	vst v3  }
0x109: {  	[tilespmem:s16+$0xFFFFFFF0] =	vst v1  }
0x10a: {  	[hbm4b:s8+s4] =	stream.linear.scatter [tilespmem:s12], [sflag:$0x8], $0x2800, $0x38;
	[tilespmem:$0xF200] =	vst v63  }
0x10b: {  	_ =	swait.ge [sflag:s24], $0x2800  }
0x10c: {  	[sflag:s24] =	ssyncset.done $0x0  }
0x10d: {  	[sflag:s24] =	ssyncadd.s32 $0xFFFFD800  }
0x10e: {  	_ =	swait.ge [sflag:s25], $0x2800  }
0x10f: {  	[sflag:s25] =	ssyncset.done $0x0  }
0x110: {  	s31 =	simm.s32 $0x2AF0;
	[sflag:s25] =	ssyncadd.s32 $0xFFFFD800  }
0x111: {  	s1 =	simm.s32 $0x7A80;
	v0 =	vld [tilespmem:s31+$0xFFFFFF90]  }
0x112: {  	v1 =	vld [tilespmem:s1+$0x0]  }
0x113: {  	s2 =	simm.s32 $0xCA80  }
0x114: {  	v2 =	vld [tilespmem:s2+$0x0];
	_ =	sdelay $0x2  }
0x115: {  	v0 =	vadd.f32 v1, v0;
	_ =	sdelay $0x1  }
0x116: {  	v0 =	vadd.f32 v2, v0  }
0x117: {  	v1 =	vld [tilespmem:s1+$0xFFFFFF80]  }
0x118: {  	v2 =	vld [tilespmem:s31+$0xFFFFFF10];
	v0 =	vmul.f32 $2.500000000e-01, v0  }
0x119: {  	v3 =	vld [tilespmem:s2+$0xFFFFFF80]  }
0x11a: {  	[tilespmem:s31+$0xFFFFFF90] =	vst v0;
	v0 =	vld [tilespmem:s31+$0xFFFFFFA0]  }
0x11b: {  	v4 =	vld [tilespmem:s1+$0x10];
	_ =	sdelay $0x1  }
0x11c: {  	v5 =	vld [tilespmem:s2+$0x10];
	v1 =	vadd.f32 v1, v2;
	_ =	sdelay $0x1  }
0x11d: {  	v1 =	vadd.f32 v3, v1  }
0x11e: {  	v0 =	vadd.f32 v4, v0  }
0x11f: {  	v1 =	vmul.f32 $2.500000000e-01, v1  }
0x120: {  	v0 =	vadd.f32 v5, v0  }
0x121: {  	v2 =	vld [tilespmem:s31+$0xFFFFFF20];
	[tilespmem:s31+$0xFFFFFF10] =	vst v1  }
0x122: {  	v1 =	vld [tilespmem:s1+$0xFFFFFF90];
	v0 =	vmul.f32 $2.500000000e-01, v0  }
0x123: {  	v5 =	vld [tilespmem:s2+$0xFFFFFF90]  }
0x124: {  	[tilespmem:s31+$0xFFFFFFA0] =	vst v0;
	v0 =	vld [tilespmem:s31+$0xFFFFFFB0]  }
0x125: {  	v6 =	vld [tilespmem:s1+$0x20];
	_ =	sdelay $0x1  }
0x126: {  	v7 =	vld [tilespmem:s2+$0x20];
	v1 =	vadd.f32 v1, v2;
	_ =	sdelay $0x1  }
0x127: {  	v1 =	vadd.f32 v5, v1  }
0x128: {  	v0 =	vadd.f32 v6, v0  }
0x129: {  	s3 =	simm.s32 $0x2BF0;
	v1 =	vmul.f32 $2.500000000e-01, v1  }
0x12a: {  	v8 =	vld [tilespmem:s3+$0xFFFFFF90];
	v0 =	vadd.f32 v7, v0  }
0x12b: {  	v3 =	vld [tilespmem:s31+$0xFFFFFF30];
	[tilespmem:s31+$0xFFFFFF20] =	vst v1  }
0x12c: {  	v1 =	vld [tilespmem:s1+$0xFFFFFFA0];
	v0 =	vmul.f32 $2.500000000e-01, v0  }
0x12d: {  	v9 =	vld [tilespmem:s31+$0xFFFFFFD0]  }
0x12e: {  	[tilespmem:s31+$0xFFFFFFB0] =	vst v0;
	v0 =	vld [tilespmem:s31+$0xFFFFFFC0]  }
0x12f: {  	s15 =	simm.s32 $0x7B80;
	v5 =	vld [tilespmem:s1+$0x30]  }
0x130: {  	v11 =	vld [tilespmem:s15+$0xFFFFFF80]  }
0x131: {  	v1 =	vadd.f32 v1, v3;
	v3 =	vld [tilespmem:s2+$0x30]  }
0x132: {  	s0 =	simm.s32 $0xCB80;
	v12 =	vld [tilespmem:s3+$0xFFFFFF10]  }
0x133: {  	v13 =	vld [tilespmem:s0+$0xFFFFFF80]  }
0x134: {  	v2 =	vld [tilespmem:s2+$0xFFFFFFA0];
	v0 =	vadd.f32 v5, v0  }
0x135: {  	v5 =	vld [tilespmem:s15+$0x0]  }
0x136: {  	v14 =	vld [tilespmem:s3+$0xFFFFFF50];
	v0 =	vadd.f32 v3, v0  }
0x137: {  	v3 =	vld [tilespmem:s0+$0x0]  }
0x138: {  	s19 =	simm.s32 $0xCC80;
	v15 =	vld [tilespmem:s31+$0xFFFFFFF0];
	v0 =	vmul.f32 $2.500000000e-01, v0  }
0x139: {  	s16 =	simm.s32 $0x2CF0;
	v16 =	vld [tilespmem:s19+$0x0];
	v1 =	vadd.f32 v2, v1  }
0x13a: {  	v19 =	vld [tilespmem:s16+$0xFFFFFF10];
	v5 =	vadd.f32 v5, v8;
	[tilespmem:s31+$0xFFFFFFC0] =	vst v0  }
0x13b: {  	v1 =	vmul.f32 $2.500000000e-01, v1;
	v0 =	vld [tilespmem:s1+$0x40]  }
0x13c: {  	v4 =	vld [tilespmem:s31+$0xFFFFFF40];
	v3 =	vadd.f32 v3, v5  }
0x13d: {  	[tilespmem:s31+$0xFFFFFF30] =	vst v1;
	v10 =	vld [tilespmem:s2+$0x40]  }
0x13e: {  	v1 =	vld [tilespmem:s1+$0xFFFFFFB0];
	v3 =	vmul.f32 $2.500000000e-01, v3  }
0x13f: {  	v8 =	vld [tilespmem:s2+$0xFFFFFFB0]  }
0x140: {  	[tilespmem:s3+$0xFFFFFF90] =	vst v3;
	v3 =	vld [tilespmem:s3+$0xFFFFFFA0];
	v0 =	vadd.f32 v0, v9  }
0x141: {  	v9 =	vld [tilespmem:s15+$0x10]  }
0x142: {  	v53 =	vld [tilespmem:s16+$0xFFFFFF20];
	v0 =	vadd.f32 v10, v0;
	v10 =	vadd.f32 v11, v12  }
0x143: {  	v11 =	vld [tilespmem:s0+$0x10]  }
0x144: {  	v20 =	vld [tilespmem:s3+$0xFFFFFFE0];
	v1 =	vadd.f32 v1, v4;
	v0 =	vmul.f32 $2.500000000e-01, v0;
	v10 =	vadd.f32 v13, v10  }
0x145: {  	v4 =	vld [tilespmem:s3+$0xFFFFFF20]  }
0x146: {  	v1 =	vadd.f32 v8, v1;
	v8 =	vld [tilespmem:s31+$0xFFFFFFE0];
	v3 =	vadd.f32 v9, v3;
	[tilespmem:s31+$0xFFFFFFD0] =	vst v0;
	v0 =	vmul.f32 $2.500000000e-01, v10  }
0x147: {  	v10 =	vld [tilespmem:s1+$0x50]  }
0x148: {  	v1 =	vmul.f32 $2.500000000e-01, v1;
	v3 =	vadd.f32 v11, v3;
	v11 =	vld [tilespmem:s2+$0x50];
	[tilespmem:s3+$0xFFFFFF10] =	vst v0  }
0x149: {  	v0 =	vld [tilespmem:s15+$0xFFFFFF90]  }
0x14a: {  	v54 =	vld [tilespmem:s16+$0xFFFFFF40];
	[tilespmem:s31+$0xFFFFFF40] =	vst v1;
	v1 =	vmul.f32 $2.500000000e-01, v3  }
0x14b: {  	v3 =	vld [tilespmem:s0+$0xFFFFFF90]  }
0x14c: {  	v6 =	vld [tilespmem:s31+$0xFFFFFF50];
	[tilespmem:s3+$0xFFFFFFA0] =	vst v1;
	v1 =	vadd.f32 v10, v8  }
0x14d: {  	v8 =	vld [tilespmem:s3+$0xFFFFFFB0]  }
0x14e: {  	v10 =	vld [tilespmem:s15+$0x20];
	v1 =	vadd.f32 v11, v1;
	v0 =	vadd.f32 v0, v4  }
0x14f: {  	v13 =	vld [tilespmem:s1+$0xFFFFFFC0]  }
0x150: {  	v4 =	vld [tilespmem:s0+$0x20];
	v1 =	vmul.f32 $2.500000000e-01, v1;
	v0 =	vadd.f32 v3, v0  }
0x151: {  	v12 =	vld [tilespmem:s3+$0xFFFFFF30]  }
0x152: {  	v11 =	vld [tilespmem:s2+$0xFFFFFFC0];
	[tilespmem:s31+$0xFFFFFFE0] =	vst v1;
	v0 =	vmul.f32 $2.500000000e-01, v0  }
0x153: {  	v1 =	vadd.f32 v10, v8;
	v8 =	vld [tilespmem:s1+$0x60]  }
0x154: {  	v10 =	vld [tilespmem:s2+$0x60];
	[tilespmem:s3+$0xFFFFFF20] =	vst v0  }
0x155: {  	v6 =	vadd.f32 v13, v6;
	v0 =	vadd.f32 v4, v1;
	v4 =	vld [tilespmem:s15+$0xFFFFFFA0]  }
0x156: {  	v57 =	vld [tilespmem:s3+$0xFFFFFFF0]  }
0x157: {  	v1 =	vadd.f32 v11, v6;
	v6 =	vld [tilespmem:s0+$0xFFFFFFA0];
	v0 =	vmul.f32 $2.500000000e-01, v0  }
0x158: {  	v7 =	vld [tilespmem:s31+$0xFFFFFF60];
	v8 =	vadd.f32 v8, v15  }
0x159: {  	[tilespmem:s3+$0xFFFFFFB0] =	vst v0;
	v0 =	vld [tilespmem:s3+$0xFFFFFFC0]  }
0x15a: {  	v8 =	vadd.f32 v10, v8;
	v4 =	vadd.f32 v4, v12;
	v10 =	vld [tilespmem:s15+$0x30]  }
0x15b: {  	v2 =	vld [tilespmem:s31+$0xFFFFFF70];
	v11 =	vmul.f32 $2.500000000e-01, v1  }
0x15c: {  	v4 =	vadd.f32 v6, v4;
	v6 =	vld [tilespmem:s0+$0x30]  }
0x15d: {  	v5 =	vld [tilespmem:s31+$0xFFFFFF80];
	[tilespmem:s31+$0xFFFFFF50] =	vst v11  }
0x15e: {  	v11 =	vld [tilespmem:s1+$0xFFFFFFD0]  }
0x15f: {  	v9 =	vld [tilespmem:s3+$0xFFFFFF40];
	v4 =	vmul.f32 $2.500000000e-01, v4;
	v10 =	vadd.f32 v10, v0  }
0x160: {  	v13 =	vld [tilespmem:s2+$0xFFFFFFD0]  }
0x161: {  	v3 =	vld [tilespmem:s3+$0xFFFFFF60];
	[tilespmem:s3+$0xFFFFFF30] =	vst v4;
	v4 =	vadd.f32 v6, v10  }
0x162: {  	v1 =	vld [tilespmem:s3+$0xFFFFFF70]  }
0x163: {  	v12 =	vld [tilespmem:s31+$0x0];
	v7 =	vadd.f32 v11, v7;
	v4 =	vmul.f32 $2.500000000e-01, v4  }
0x164: {  	s18 =	simm.s32 $0x7C80;
	v11 =	vld [tilespmem:s16+$0xFFFFFF90]  }
0x165: {  	v8 =	vmul.f32 $2.500000000e-01, v8;
	v7 =	vadd.f32 v13, v7;
	[tilespmem:s3+$0xFFFFFFC0] =	vst v4;
	v4 =	vld [tilespmem:s18+$0x0]  }
0x166: {  	v10 =	vld [tilespmem:s3+$0xFFFFFFD0]  }
0x167: {  	[tilespmem:s31+$0xFFFFFFF0] =	vst v8;
	v7 =	vmul.f32 $2.500000000e-01, v7;
	v13 =	vld [tilespmem:s15+$0x40]  }
0x168: {  	v8 =	vld [tilespmem:s1+$0x70]  }
0x169: {  	[tilespmem:s31+$0xFFFFFF60] =	vst v7;
	v7 =	vld [tilespmem:s0+$0x40]  }
0x16a: {  	v15 =	vld [tilespmem:s2+$0x70];
	v4 =	vadd.f32 v4, v11  }
0x16b: {  	v11 =	vld [tilespmem:s18+$0xFFFFFF80]  }
0x16c: {  	v6 =	vld [tilespmem:s15+$0xFFFFFFB0];
	v10 =	vadd.f32 v13, v10;
	v4 =	vadd.f32 v16, v4  }
0x16d: {  	v13 =	vld [tilespmem:s19+$0xFFFFFF80]  }
0x16e: {  	v17 =	vld [tilespmem:s0+$0xFFFFFFB0];
	v7 =	vadd.f32 v7, v10;
	v4 =	vmul.f32 $2.500000000e-01, v4  }
0x16f: {  	v0 =	vld [tilespmem:s3+$0xFFFFFF80]  }
0x170: {  	v18 =	vld [tilespmem:s1+$0xFFFFFFE0];
	v7 =	vmul.f32 $2.500000000e-01, v7;
	[tilespmem:s16+$0xFFFFFF90] =	vst v4;
	v4 =	vadd.f32 v11, v19  }
0x171: {  	v6 =	vadd.f32 v6, v9;
	v11 =	vld [tilespmem:s16+$0xFFFFFFA0]  }
0x172: {  	v9 =	vld [tilespmem:s18+$0x10];
	[tilespmem:s3+$0xFFFFFFD0] =	vst v7;
	v4 =	vadd.f32 v13, v4  }
0x173: {  	v6 =	vadd.f32 v17, v6;
	v7 =	vld [tilespmem:s15+$0x50]  }
0x174: {  	v13 =	vld [tilespmem:s19+$0x10];
	v4 =	vmul.f32 $2.500000000e-01, v4  }
0x175: {  	v21 =	vld [tilespmem:s2+$0xFFFFFFE0];
	v6 =	vmul.f32 $2.500000000e-01, v6  }
0x176: {  	v55 =	vld [tilespmem:s0+$0x50];
	[tilespmem:s16+$0xFFFFFF10] =	vst v4  }
0x177: {  	[tilespmem:s3+$0xFFFFFF40] =	vst v6;
	v4 =	vadd.f32 v9, v11;
	v6 =	vld [tilespmem:s18+$0xFFFFFF90]  }
0x178: {  	v18 =	vadd.f32 v18, v2;
	v2 =	vld [tilespmem:s16+$0xFFFFFF60]  }
0x179: {  	v7 =	vadd.f32 v7, v20;
	v11 =	vadd.f32 v13, v4;
	v13 =	vld [tilespmem:s19+$0xFFFFFF90]  }
0x17a: {  	v9 =	vld [tilespmem:s15+$0xFFFFFFC0]  }
0x17b: {  	v10 =	vld [tilespmem:s16+$0xFFFFFF30];
	v7 =	vadd.f32 v55, v7;
	v11 =	vmul.f32 $2.500000000e-01, v11  }
0x17c: {  	v56 =	vld [tilespmem:s0+$0xFFFFFFC0];
	v6 =	vadd.f32 v6, v53  }
0x17d: {  	v7 =	vmul.f32 $2.500000000e-01, v7;
	[tilespmem:s16+$0xFFFFFFA0] =	vst v11;
	v11 =	vld [tilespmem:s16+$0xFFFFFFB0]  }
0x17e: {  	v6 =	vadd.f32 v13, v6;
	v13 =	vld [tilespmem:s18+$0x20]  }
0x17f: {  	[tilespmem:s3+$0xFFFFFFE0] =	vst v7;
	v7 =	vadd.f32 v9, v14;
	v14 =	vld [tilespmem:s19+$0x20]  }
0x180: {  	v9 =	vld [tilespmem:s15+$0x60];
	v6 =	vmul.f32 $2.500000000e-01, v6  }
0x181: {  	v4 =	vld [tilespmem:s16+$0xFFFFFF50];
	v7 =	vadd.f32 v56, v7  }
0x182: {  	v58 =	vld [tilespmem:s0+$0x60];
	[tilespmem:s16+$0xFFFFFF20] =	vst v6  }
0x183: {  	v18 =	vadd.f32 v21, v18;
	v7 =	vmul.f32 $2.500000000e-01, v7;
	v59 =	vld [tilespmem:s18+$0xFFFFFFA0];
	v11 =	vadd.f32 v13, v11  }
0x184: {  	v6 =	vld [tilespmem:s16+$0xFFFFFF70]  }
0x185: {  	[tilespmem:s3+$0xFFFFFF50] =	vst v7;
	v7 =	vmul.f32 $2.500000000e-01, v18;
	v9 =	vadd.f32 v9, v57;
	v13 =	vld [tilespmem:s19+$0xFFFFFFA0];
	v11 =	vadd.f32 v14, v11  }
0x186: {  	v14 =	vld [tilespmem:s15+$0xFFFFFFD0]  }
0x187: {  	[tilespmem:s31+$0xFFFFFF70] =	vst v7;
	v7 =	vadd.f32 v58, v9;
	v9 =	vld [tilespmem:s0+$0xFFFFFFD0];
	v11 =	vmul.f32 $2.500000000e-01, v11  }
0x188: {  	v60 =	vld [tilespmem:s1+$0xFFFFFFF0];
	v10 =	vadd.f32 v59, v10  }
0x189: {  	v7 =	vmul.f32 $2.500000000e-01, v7;
	[tilespmem:s16+$0xFFFFFFB0] =	vst v11;
	v11 =	vld [tilespmem:s3+$0x0]  }
0x18a: {  	v10 =	vadd.f32 v13, v10;
	v13 =	vld [tilespmem:s16+$0xFFFFFFC0]  }
0x18b: {  	[tilespmem:s3+$0xFFFFFFF0] =	vst v7;
	v3 =	vadd.f32 v14, v3;
	v14 =	vld [tilespmem:s18+$0x30]  }
0x18c: {  	v7 =	vld [tilespmem:s15+$0x70]  }
0x18d: {  	v61 =	vld [tilespmem:s19+$0x30];
	v10 =	vmul.f32 $2.500000000e-01, v10;
	v9 =	vadd.f32 v9, v3  }
0x18e: {  	v8 =	vadd.f32 v8, v12;
	v62 =	vld [tilespmem:s0+$0x70]  }
0x18f: {  	v3 =	vld [tilespmem:s16+$0xFFFFFF80];
	[tilespmem:s16+$0xFFFFFF30] =	vst v10;
	v9 =	vmul.f32 $2.500000000e-01, v9  }
0x190: {  	v8 =	vadd.f32 v15, v8;
	v15 =	vld [tilespmem:s18+$0xFFFFFFB0];
	v13 =	vadd.f32 v14, v13  }
0x191: {  	v12 =	vld [tilespmem:s19+$0xFFFFFFB0];
	v7 =	vadd.f32 v7, v11;
	[tilespmem:s3+$0xFFFFFF60] =	vst v9  }
0x192: {  	v10 =	vld [tilespmem:s15+$0xFFFFFFE0];
	v11 =	vadd.f32 v61, v13  }
0x193: {  	v9 =	vmul.f32 $2.500000000e-01, v8;
	v8 =	vld [tilespmem:s0+$0xFFFFFFE0];
	v63 =	vadd.f32 v62, v7  }
0x194: {  	s26 =	simm.s32 $0x7C80;
	v7 =	vld [tilespmem:s2+$0xFFFFFFF0];
	v13 =	vmul.f32 $2.500000000e-01, v11  }
0x195: {  	s20 =	simm.s32 $0xCC80;
	s1 =	simm.s32 $0x4;
	v5 =	vadd.f32 v60, v5;
	s2 =	simm.s32 $0x2DF0;
	[tilespmem:s31+$0x0] =	vst v9;
	v11 =	vld [tilespmem:s16+$0xFFFFFFD0];
	v9 =	vmul.f32 $2.500000000e-01, v63;
	v14 =	vadd.f32 v15, v54  }
.LBB2_4:
0x196: {  	v15 =	vld [tilespmem:s2+$0xFFFFFF90];
	[tilespmem:s16+$0xFFFFFFC0] =	vst v13;
	s18 =	sadd.s32 $0x100, s18  }
0x197: {  	v13 =	vld [tilespmem:s18+$0x0];
	v12 =	vadd.f32 v12, v14;
	v10 =	vadd.f32 v10, v1;
	[tilespmem:s3+$0x0] =	vst v9;
	v1 =	vmov v6  }
0x198: {  	s1 =	sadd.s32 $0x2, s1;
	s19 =	sadd.s32 $0x100, s19;
	v6 =	vld [tilespmem:s26+$0x40]  }
0x199: {  	p0 =	slt.u32 s1, $0x4E;
	v9 =	vld [tilespmem:s19+$0x0];
	v12 =	vmul.f32 $2.500000000e-01, v12;
	v8 =	vadd.f32 v8, v10;
	v5 =	vadd.f32 v7, v5  }
0x19a: {  	v7 =	vld [tilespmem:s20+$0x40]  }
0x19b: {  	v10 =	vld [tilespmem:s18+$0xFFFFFF80];
	[tilespmem:s16+$0xFFFFFF40] =	vst v12;
	v8 =	vmul.f32 $2.500000000e-01, v8;
	v5 =	vmul.f32 $2.500000000e-01, v5  }
0x19c: {  	v12 =	vld [tilespmem:s2+$0xFFFFFF10];
	v13 =	vadd.f32 v13, v15  }
0x19d: {  	v14 =	vld [tilespmem:s19+$0xFFFFFF80];
	v6 =	vadd.f32 v6, v11;
	[tilespmem:s3+$0xFFFFFF70] =	vst v8  }
0x19e: {  	v8 =	vld [tilespmem:s2+$0xFFFFFF20];
	v9 =	vadd.f32 v9, v13;
	[tilespmem:s31+$0xFFFFFF80] =	vst v5;
	s31 =	smov.u32 s3;
	s3 =	smov.u32 s16;
	s16 =	smov.u32 s2  }
0x19f: {  	v5 =	vld [tilespmem:s2+$0xFFFFFF30];
	v6 =	vadd.f32 v7, v6  }
0x1a0: {  	v11 =	vld [tilespmem:s2+$0xFFFFFF40];
	v7 =	vmul.f32 $2.500000000e-01, v9  }
0x1a1: {  	v9 =	vadd.f32 v10, v12;
	v6 =	vmul.f32 $2.500000000e-01, v6;
	v10 =	vld [tilespmem:s3+$0xFFFFFFE0]  }
0x1a2: {  	[tilespmem:s2+$0xFFFFFF90] =	vst v7;
	v7 =	vld [tilespmem:s2+$0xFFFFFFA0]  }
0x1a3: {  	v9 =	vadd.f32 v14, v9;
	v12 =	vld [tilespmem:s18+$0x10];
	[tilespmem:s3+$0xFFFFFFD0] =	vst v6  }
0x1a4: {  	v6 =	vld [tilespmem:s26+$0x50]  }
0x1a5: {  	v9 =	vmul.f32 $2.500000000e-01, v9;
	v13 =	vld [tilespmem:s19+$0x10]  }
0x1a6: {  	v14 =	vld [tilespmem:s20+$0x50]  }
0x1a7: {  	[tilespmem:s2+$0xFFFFFF10] =	vst v9;
	v9 =	vld [tilespmem:s26+$0xFFFFFFC0]  }
0x1a8: {  	v15 =	vld [tilespmem:s18+$0xFFFFFF90];
	v7 =	vadd.f32 v12, v7  }
0x1a9: {  	v12 =	vld [tilespmem:s19+$0xFFFFFF90];
	v6 =	vadd.f32 v6, v10  }
0x1aa: {  	v10 =	vld [tilespmem:s2+$0xFFFFFF50];
	v7 =	vadd.f32 v13, v7  }
0x1ab: {  	v13 =	vld [tilespmem:s20+$0xFFFFFFC0];
	v6 =	vadd.f32 v14, v6  }
0x1ac: {  	v14 =	vld [tilespmem:s2+$0xFFFFFF60];
	v7 =	vmul.f32 $2.500000000e-01, v7;
	v9 =	vadd.f32 v9, v4  }
0x1ad: {  	v16 =	vadd.f32 v15, v8;
	v6 =	vmul.f32 $2.500000000e-01, v6;
	v8 =	vld [tilespmem:s3+$0xFFFFFFF0]  }
0x1ae: {  	[tilespmem:s2+$0xFFFFFFA0] =	vst v7;
	v7 =	vld [tilespmem:s2+$0xFFFFFFB0]  }
0x1af: {  	v12 =	vadd.f32 v12, v16;
	v15 =	vld [tilespmem:s18+$0x20];
	[tilespmem:s3+$0xFFFFFFE0] =	vst v6;
	v4 =	vmov v10  }
0x1b0: {  	v6 =	vadd.f32 v13, v9;
	v9 =	vld [tilespmem:s26+$0x60]  }
0x1b1: {  	v10 =	vmul.f32 $2.500000000e-01, v12;
	v12 =	vld [tilespmem:s19+$0x20]  }
0x1b2: {  	v13 =	vmul.f32 $2.500000000e-01, v6;
	v16 =	vld [tilespmem:s20+$0x60]  }
0x1b3: {  	[tilespmem:s2+$0xFFFFFF20] =	vst v10;
	v6 =	vld [tilespmem:s2+$0xFFFFFF70]  }
0x1b4: {  	v10 =	vld [tilespmem:s18+$0xFFFFFFA0];
	v7 =	vadd.f32 v15, v7;
	[tilespmem:s3+$0xFFFFFF50] =	vst v13  }
0x1b5: {  	v13 =	vld [tilespmem:s19+$0xFFFFFFA0];
	v8 =	vadd.f32 v9, v8  }
0x1b6: {  	v7 =	vadd.f32 v12, v7;
	v9 =	vld [tilespmem:s26+$0xFFFFFFD0]  }
0x1b7: {  	v12 =	vld [tilespmem:s20+$0xFFFFFFD0];
	v8 =	vadd.f32 v16, v8  }
0x1b8: {  	v7 =	vmul.f32 $2.500000000e-01, v7;
	v15 =	vld [tilespmem:s15+$0xFFFFFFF0];
	s15 =	smov.u32 s26;
	s26 =	smov.u32 s18  }
0x1b9: {  	v5 =	vadd.f32 v10, v5;
	v8 =	vmul.f32 $2.500000000e-01, v8;
	v10 =	vld [tilespmem:s3+$0x0]  }
0x1ba: {  	[tilespmem:s2+$0xFFFFFFB0] =	vst v7;
	v7 =	vld [tilespmem:s2+$0xFFFFFFC0]  }
0x1bb: {  	v5 =	vadd.f32 v13, v5;
	v13 =	vld [tilespmem:s18+$0x30];
	v9 =	vadd.f32 v9, v2;
	[tilespmem:s3+$0xFFFFFFF0] =	vst v8;
	v2 =	vmov v14  }
0x1bc: {  	v8 =	vld [tilespmem:s15+$0x70]  }
0x1bd: {  	v14 =	vmul.f32 $2.500000000e-01, v5;
	v16 =	vld [tilespmem:s19+$0x30];
	v9 =	vadd.f32 v12, v9;
	v5 =	vadd.f32 v15, v0;
	v0 =	vmovc v3  }
0x1be: {  	v15 =	vld [tilespmem:s20+$0x70]  }
0x1bf: {  	[tilespmem:s2+$0xFFFFFF30] =	vst v14;
	v3 =	vld [tilespmem:s2+$0xFFFFFF80];
	v9 =	vmul.f32 $2.500000000e-01, v9  }
0x1c0: {  	v14 =	vld [tilespmem:s18+$0xFFFFFFB0];
	v7 =	vadd.f32 v13, v7  }
.Ltmp1:
0x1c1: {  	v12 =	vld [tilespmem:s19+$0xFFFFFFB0];
	[tilespmem:s3+$0xFFFFFF60] =	vst v9;
	v9 =	vadd.f32 v8, v10;
	(pc) =	sbr.rel @p0 .LBB2_4-.Ltmp1, $4  }
0x1c2: {  	v7 =	vadd.f32 v16, v7;
	v10 =	vld [tilespmem:s15+$0xFFFFFFE0]  }
0x1c3: {  	v8 =	vld [tilespmem:s20+$0xFFFFFFE0];
	v9 =	vadd.f32 v15, v9  }
0x1c4: {  	v13 =	vmul.f32 $2.500000000e-01, v7;
	v7 =	vld [tilespmem:s0+$0xFFFFFFF0];
	s0 =	smov.u32 s20;
	s20 =	smov.u32 s19  }
0x1c5: {  	s2 =	sadd.s32 $0x100, s2;
	v14 =	vadd.f32 v14, v11;
	v11 =	vld [tilespmem:s16+$0xFFFFFFD0];
	v9 =	vmul.f32 $2.500000000e-01, v9  }
0x1c6: {  	_ = 	snop  }
0x1c7: {  	v12 =	vadd.f32 v12, v14;
	_ =	sdelay $0x1  }
0x1c8: {  	v12 =	vmul.f32 $2.500000000e-01, v12  }
0x1c9: {  	[tilespmem:s16+$0xFFFFFFC0] =	vst v13  }
0x1ca: {  	v13 =	vld [tilespmem:s26+$0x40];
	[tilespmem:s16+$0xFFFFFF40] =	vst v12  }
0x1cb: {  	v12 =	vld [tilespmem:s26+$0xFFFFFFC0]  }
0x1cc: {  	v48 =	vld [tilespmem:s20+$0x40]  }
0x1cd: {  	v15 =	vld [tilespmem:s20+$0xFFFFFFC0];
	_ =	sdelay $0x1  }
0x1ce: {  	v11 =	vadd.f32 v13, v11  }
0x1cf: {  	v4 =	vadd.f32 v12, v4  }
0x1d0: {  	v11 =	vadd.f32 v48, v11  }
0x1d1: {  	v4 =	vadd.f32 v15, v4  }
0x1d2: {  	v11 =	vmul.f32 $2.500000000e-01, v11  }
0x1d3: {  	v4 =	vmul.f32 $2.500000000e-01, v4  }
0x1d4: {  	v49 =	vld [tilespmem:s16+$0xFFFFFFE0];
	[tilespmem:s16+$0xFFFFFFD0] =	vst v11  }
0x1d5: {  	v11 =	vld [tilespmem:s26+$0x50];
	[tilespmem:s16+$0xFFFFFF50] =	vst v4  }
0x1d6: {  	v4 =	vld [tilespmem:s26+$0xFFFFFFD0]  }
0x1d7: {  	v50 =	vld [tilespmem:s20+$0x50]  }
0x1d8: {  	v51 =	vld [tilespmem:s20+$0xFFFFFFD0];
	_ =	sdelay $0x1  }
0x1d9: {  	v11 =	vadd.f32 v11, v49  }
0x1da: {  	v2 =	vadd.f32 v4, v2  }
0x1db: {  	v11 =	vadd.f32 v50, v11  }
0x1dc: {  	v2 =	vadd.f32 v51, v2  }
0x1dd: {  	v52 =	vmul.f32 $2.500000000e-01, v11  }
0x1de: {  	v2 =	vmul.f32 $2.500000000e-01, v2  }
0x1df: {  	v53 =	vld [tilespmem:s16+$0xFFFFFFF0];
	[tilespmem:s16+$0xFFFFFFE0] =	vst v52  }
0x1e0: {  	v4 =	vld [tilespmem:s26+$0x60];
	[tilespmem:s16+$0xFFFFFF60] =	vst v2  }
0x1e1: {  	v2 =	vld [tilespmem:s26+$0xFFFFFFE0]  }
0x1e2: {  	v54 =	vld [tilespmem:s20+$0x60]  }
0x1e3: {  	v1 =	vadd.f32 v10, v1;
	v55 =	vld [tilespmem:s20+$0xFFFFFFE0];
	_ =	sdelay $0x1  }
0x1e4: {  	v1 =	vadd.f32 v8, v1;
	v4 =	vadd.f32 v4, v53  }
0x1e5: {  	v2 =	vadd.f32 v2, v6  }
0x1e6: {  	v1 =	vmul.f32 $2.500000000e-01, v1;
	v4 =	vadd.f32 v54, v4  }
0x1e7: {  	v2 =	vadd.f32 v55, v2  }
0x1e8: {  	v56 =	vld [tilespmem:s16+$0x0];
	[tilespmem:s3+$0xFFFFFF70] =	vst v1;
	v4 =	vmul.f32 $2.500000000e-01, v4  }
0x1e9: {  	v57 =	vld [tilespmem:s15+$0xFFFFFFF0];
	v2 =	vmul.f32 $2.500000000e-01, v2  }
0x1ea: {  	v59 =	vld [tilespmem:s0+$0xFFFFFFF0];
	[tilespmem:s16+$0xFFFFFFF0] =	vst v4  }
0x1eb: {  	v4 =	vld [tilespmem:s26+$0x70];
	[tilespmem:s16+$0xFFFFFF70] =	vst v2  }
0x1ec: {  	v2 =	vld [tilespmem:s26+$0xFFFFFFF0]  }
0x1ed: {  	v58 =	vld [tilespmem:s20+$0x70]  }
0x1ee: {  	v60 =	vld [tilespmem:s20+$0xFFFFFFF0]  }
0x1ef: {  	v0 =	vadd.f32 v57, v0  }
0x1f0: {  	v61 =	vadd.f32 v7, v5;
	v1 =	vadd.f32 v4, v56  }
0x1f1: {  	v0 =	vadd.f32 v59, v0;
	v2 =	vadd.f32 v2, v3  }
0x1f2: {  	v62 =	vmul.f32 $2.500000000e-01, v61;
	v1 =	vadd.f32 v58, v1  }
0x1f3: {  	[tilespmem:s3+$0x0] =	vst v9;
	v0 =	vmul.f32 $2.500000000e-01, v0;
	v2 =	vadd.f32 v60, v2  }
0x1f4: {  	[tilespmem:s31+$0xFFFFFF80] =	vst v62;
	v1 =	vmul.f32 $2.500000000e-01, v1  }
0x1f5: {  	[tilespmem:s3+$0xFFFFFF80] =	vst v0;
	v63 =	vmul.f32 $2.500000000e-01, v2  }
0x1f6: {  	[tilespmem:s16+$0x0] =	vst v1  }
0x1f7: {  	s30 =	sadd.s32 $0x1, s30;
	s31 =	simm.s32 $0x2A00;
	[tilespmem:s16+$0xFFFFFF80] =	vst v63  }
0x1f8: {  	[hbm4b:s9+s4] =	stream.linear.scatter [tilespmem:s31], [sflag:$0x9], $0x2800, $0x38;
	[tilespmem:$0xF200] =	vst v63  }
0x1f9: {  	p0 =	sne.s32 s30, s10;
	_ =	swait.ge [sflag:s28], $0x2800  }
.Ltmp2:
0x1fa: {  	[sflag:s28] =	ssyncset.done $0x0;
	(pc) =	sbr.rel @p0 .LBB2_1-.Ltmp2, $4  }
0x1fb: {  	[sflag:s28] =	ssyncadd.s32 $0xFFFFD800  }
0x1fc: {  	_ =	swait.ge [sflag:s29], $0x2800  }
0x1fd: {  	[sflag:s29] =	ssyncset.done $0x0  }
0x1fe: {  	[sflag:s29] =	ssyncadd.s32 $0xFFFFD800  }
0x1ff: {  	_ =	sfence.sel $0x180000  }
0x200: {  	[bflag:$0x0] =	sbarrier.arrive $0xFFFF  }
0x201: {  	_ =	strace $0x90000047  }
0x202: {  	s0 =	stileid.u32;
	[bflag:$0x2] =	sbarrier.arrive $0xFFFF  }
0x203: {  	p0 =	sne.s32 s0, $0x0;
	s0 =	rddreg [dreg:$0x6]  }
0x204: {  	s0 =	sadd.s32 @!p0 $0x100000, s0  }
0x205: {  	[sflag:s0] =	ssyncadd.tile.s32 @!p0 $0x1;
	_ =	shalt  }
.Lfunc_end2:
_tile_overlayer_lowered:
.L_overlay_start_2:
0x206: {  	(tag) =	ssettag $0x2  }
0x207: {  	s0 =	rddreg [dreg:$0x0];
	s2 =	stileid.u32  }
0x208: {  	s1 =	rddreg [dreg:$0x1];
	p0 =	sne.s32 s2, $0x0  }
0x209: {  	s3 =	rddreg [dreg:$0x2];
	[bflag:$0x3] =	sbarrier.arrive $0xFFFF;
	s2 =	simm.s32 @!p0 $0x1C0A  }
0x20a: {  	[timem:s3], [sflag:s2] =	dma.local @!p0 [hbm:s0], s1  }
0x20b: {  	s0 =	simm.s32 @!p0 $0xA  }
0x20c: {  	_ =	swait.ge @!p0 [sflag:s0], s1  }
0x20d: {  	s1 =	ssub.s32 @!p0 $0x0, s1;
	[sflag:s0] =	ssyncset.done @!p0 $0x0  }
0x20e: {  	[sflag:s0] =	ssyncadd.s32 @!p0 s1  }
0x20f: {  	[bflag:$0x3] =	sbarrier.arrive $0xFFFF  }
0x210: {  	_ =	shalt  }

</sc_bundles>
